<compile_context>
chip_gen: v7x
topology: tpu7x:2x2x1
jax: 0.10.2.dev20260603
libtpu: 0.0.44.dev20260713+nightly
codegen_flags: <defaults>
</compile_context>

<pallas_src>
import functools

import jax
import jax.numpy as jnp
from jax import lax
from jax.experimental import pallas as pl
from jax.experimental.pallas import tpu as pltpu
from jax.experimental.pallas import tpu_sc as plsc

N = 10000
N_PAD = 10240
E = 320000
D = 128
NC = 2
NS = 16
NW = NC * NS
C = 40
NCHUNK = E // (NW * C)
NPAIR = NCHUNK // 2
ROWS_PER_TILE = N_PAD // NS
NZ = ROWS_PER_TILE // C

_MESH = plsc.VectorSubcoreMesh(core_axis_name="c", subcore_axis_name="s")


@functools.partial(
    pl.kernel,
    mesh=_MESH,
    out_type=[
        jax.ShapeDtypeStruct((NC, N_PAD, D), jnp.float32),
        jax.ShapeDtypeStruct((NC, N_PAD, D), jnp.float32),
    ],
    scratch_types=[
        pltpu.VMEM((2, C), jnp.int32),
        pltpu.VMEM((2, C), jnp.int32),
        pltpu.VMEM((C, D), jnp.float32),
        pltpu.VMEM((C, D), jnp.float32),
        pltpu.SemaphoreType.DMA,
        pltpu.SemaphoreType.DMA,
        pltpu.SemaphoreType.DMA,
        pltpu.SemaphoreType.DMA,
        pltpu.VMEM_SHARED((N_PAD, D), jnp.float32),
    ],
)
def _sc_aggregate(feat_hbm, edges_hbm, zrow_hbm, ones_hbm,
                  acc_out, cnt_out,
                  idx_a, idx_b, rows_a, rows_b, sga, sgb, sia, sib, acc_sh):
    cid = lax.axis_index("c")
    sid = lax.axis_index("s")
    wid = sid * NC + cid
    base = sid * ROWS_PER_TILE
    j0 = wid * NCHUNK

    def zero_acc():
        pltpu.sync_copy(zrow_hbm, rows_a)
        for k in range(NZ):
            pltpu.make_async_copy(
                rows_a, acc_sh.at[pl.ds(base + k * C, C)], sga).start()
        for k in range(NZ):
            pltpu.make_async_copy(
                rows_a, acc_sh.at[pl.ds(base, C)], sga).wait()

    def copy_out(dst_hbm):
        def obody(k, carry):
            r = base + k * C
            pltpu.sync_copy(acc_sh.at[pl.ds(r, C)], rows_a)
            pltpu.sync_copy(rows_a, dst_hbm.at[cid, pl.ds(r, C)])
            return carry

        lax.fori_loop(0, NZ, obody, 0)

    zero_acc()
    plsc.subcore_barrier()

    pltpu.sync_copy(edges_hbm.at[j0], idx_a)
    pltpu.make_async_copy(feat_hbm.at[idx_a.at[1]], rows_a, sga).start()
    pltpu.make_async_copy(edges_hbm.at[j0 + 1], idx_b, sib).start()

    def body(k, carry):
        i = j0 + 2 * k
        pltpu.make_async_copy(edges_hbm.at[0], idx_b, sib).wait()
        pltpu.make_async_copy(feat_hbm.at[idx_b.at[1]], rows_b, sgb).start()
        pltpu.make_async_copy(feat_hbm.at[0:C], rows_a, sga).wait()
        pltpu.sync_copy(rows_a, acc_sh.at[idx_a.at[0]], add=True)
        pltpu.make_async_copy(edges_hbm.at[i + 2], idx_a, sia).start()
        pltpu.make_async_copy(edges_hbm.at[0], idx_a, sia).wait()
        pltpu.make_async_copy(feat_hbm.at[idx_a.at[1]], rows_a, sga).start()
        pltpu.make_async_copy(feat_hbm.at[0:C], rows_b, sgb).wait()
        pltpu.sync_copy(rows_b, acc_sh.at[idx_b.at[0]], add=True)
        pltpu.make_async_copy(edges_hbm.at[i + 3], idx_b, sib).start()
        return carry

    lax.fori_loop(0, NPAIR, body, 0)
    pltpu.make_async_copy(edges_hbm.at[0], idx_b, sib).wait()
    pltpu.make_async_copy(feat_hbm.at[0:C], rows_a, sga).wait()
    plsc.subcore_barrier()
    copy_out(acc_out)

    pltpu.sync_copy(ones_hbm, rows_b)
    plsc.subcore_barrier()

    pltpu.sync_copy(edges_hbm.at[j0], idx_a)
    pltpu.make_async_copy(edges_hbm.at[j0 + 1], idx_b, sib).start()

    def body2(k, carry):
        i = j0 + 2 * k
        pltpu.sync_copy(rows_b, acc_sh.at[idx_a.at[0]], add=True)
        pltpu.make_async_copy(edges_hbm.at[0], idx_b, sib).wait()
        pltpu.make_async_copy(edges_hbm.at[i + 2], idx_a, sia).start()
        pltpu.sync_copy(rows_b, acc_sh.at[idx_b.at[0]], add=True)
        pltpu.make_async_copy(edges_hbm.at[0], idx_a, sia).wait()
        pltpu.make_async_copy(edges_hbm.at[i + 3], idx_b, sib).start()
        return carry

    lax.fori_loop(0, NPAIR, body2, 0)
    pltpu.make_async_copy(edges_hbm.at[0], idx_b, sib).wait()
    plsc.subcore_barrier()
    copy_out(cnt_out)


_TC_R = 1024


def _tc_body(p_ref, c_ref, w_ref, b_ref, o_ref):
    agg = p_ref[0] + p_ref[1]
    cnt = (c_ref[0, :, 0:1] + c_ref[1, :, 0:1]
           - p_ref[0, :, 0:1] - p_ref[1, :, 0:1])
    h = agg / jnp.maximum(cnt, 1.0)
    o_ref[...] = lax.dot_general(
        h, w_ref[...], (((1,), (1,)), ((), ())),
        preferred_element_type=jnp.float32,
        precision=lax.Precision.HIGHEST,
    ) + b_ref[...]


def _tc_finish(acc, cnt, W, b2d):
    return pl.pallas_call(
        _tc_body,
        grid=(N_PAD // _TC_R,),
        in_specs=[
            pl.BlockSpec((NC, _TC_R, D), lambda i: (0, i, 0)),
            pl.BlockSpec((NC, _TC_R, D), lambda i: (0, i, 0)),
            pl.BlockSpec((D, D), lambda i: (0, 0)),
            pl.BlockSpec((1, D), lambda i: (0, 0)),
        ],
        out_specs=pl.BlockSpec((_TC_R, D), lambda i: (i, 0)),
        out_shape=jax.ShapeDtypeStruct((N, D), jnp.float32),
    )(acc, cnt, W, b2d)


def kernel(feat, edge_index, W, b):
    ei = edge_index.astype(jnp.int32)
    edges = ei[::-1].reshape(2, NW * NCHUNK, C).transpose(1, 0, 2)
    edges = jnp.pad(edges, ((0, 2), (0, 0), (0, 0)))
    zrow = jnp.zeros((C, D), jnp.float32)
    ones = jnp.ones((C, D), jnp.float32)
    acc, cnt = _sc_aggregate(feat, edges, zrow, ones)
    return _tc_finish(acc, cnt, W, b.reshape(1, D))

# --- scband reference (transcript-rebuilt; emitter-appended) ---
"""Pipeline reference for scband-gcnlayer-12412455486170 (READ-ONLY COPY).

The authoritative reference and input builder live on the scoring server;
editing this copy changes nothing except your own understanding.
"""

import jax, jax.numpy as jnp
import numpy as np

N_NODES = 10000
N_EDGES = 320000
D_IN = 128
D_OUT = 128


def setup_inputs(seed: int = 0) -> dict:
    key = jax.random.key(seed)
    k_feat, k_edge, k_w, k_b = jax.random.split(key, 4)
    feat = jax.random.normal(k_feat, (N_NODES, D_IN), dtype=jnp.float32)
    edge_index = jax.random.randint(k_edge, (2, N_EDGES), 0, N_NODES, dtype=jnp.int64)
    # torch.nn.Linear(in_feats, out_feats): weight [out, in], bias [out]
    bound = 1.0 / np.sqrt(D_IN)
    W = jax.random.uniform(k_w, (D_OUT, D_IN), minval=-bound, maxval=bound, dtype=jnp.float32)
    b = jax.random.uniform(k_b, (D_OUT,), minval=-bound, maxval=bound, dtype=jnp.float32)
    return {"feat": feat, "edge_index": edge_index, "W": W, "b": b}


def reference(feat, edge_index, W, b):
    # DGL update_all(copy_u('h','m'), mean('m','h')):
    # gather source node features along edges, mean-reduce onto destination nodes.
    src = edge_index[0]
    dst = edge_index[1]
    msgs = jnp.take(feat, src, axis=0)                       # gather [E, d]
    agg = jax.ops.segment_sum(msgs, dst, num_segments=N_NODES)   # scatter-add [N, d]
    cnt = jax.ops.segment_sum(jnp.ones((msgs.shape[0],), dtype=feat.dtype), dst,
                              num_segments=N_NODES)
    # DGL mean reducer leaves zero for nodes with no incoming edges
    denom = jnp.maximum(cnt, 1.0)[:, None]
    h = agg / denom
    # Linear transform
    h = h @ W.T + b
    return h

if __name__ == "__main__":
    import jax
    _d = setup_inputs()
    print(jax.jit(kernel)(*tuple(_d.values())))

</pallas_src>

<mosaic_0001>
#map = affine_map<(d0, d1) -> (0, 0)>
#map1 = affine_map<(d0, d1) -> (0, 0, 0)>
module attributes {stable_mosaic.version = 14 : i64} {
  func.func @_sc_aggregate(%arg0: i32, %arg1: i32, %arg2: memref<10000x128xf32, #tpu.memory_space<hbm>>, %arg3: memref<8002x2x40xi32, #tpu.memory_space<hbm>>, %arg4: memref<40x128xf32, #tpu.memory_space<hbm>>, %arg5: memref<40x128xf32, #tpu.memory_space<hbm>>, %arg6: memref<2x10240x128xf32, #tpu.memory_space<hbm>>, %arg7: memref<2x10240x128xf32, #tpu.memory_space<hbm>>, %arg8: memref<2x40xi32, #tpu.memory_space<vmem>>, %arg9: memref<2x40xi32, #tpu.memory_space<vmem>>, %arg10: memref<40x128xf32, #tpu.memory_space<vmem>>, %arg11: memref<40x128xf32, #tpu.memory_space<vmem>>, %arg12: memref<!tpu.dma_semaphore, #tpu.memory_space<semaphore_mem>>, %arg13: memref<!tpu.dma_semaphore, #tpu.memory_space<semaphore_mem>>, %arg14: memref<!tpu.dma_semaphore, #tpu.memory_space<semaphore_mem>>, %arg15: memref<!tpu.dma_semaphore, #tpu.memory_space<semaphore_mem>>, %arg16: memref<10240x128xf32, #tpu.memory_space<vmem_shared>>) attributes {dimension_semantics = [#tpu.dimension_semantics<core_parallel>, #tpu.dimension_semantics<subcore_parallel>], iteration_bounds = array<i64: 2, 16>, scalar_prefetch = 0 : i64, scratch_operands = 9 : i64, tpu.core_type = #tpu.core_type<sc_vector_subcore>, window_params = [{transform_indices = #map}, {transform_indices = #map1}, {transform_indices = #map}, {transform_indices = #map}, {transform_indices = #map1}, {transform_indices = #map1}]} {
    %mul3A = arith.constant 2 : i32
    %mul3A_0 = arith.muli %arg1, %mul3A : i32
    %add3A = arith.addi %mul3A_0, %arg0 : i32
    %mul3A_1 = arith.constant 640 : i32
    %mul3A_2 = arith.muli %arg1, %mul3A_1 : i32
    %mul3A_3 = arith.constant 250 : i32
    %mul3A_4 = arith.muli %add3A, %mul3A_3 : i32
    "tpu.region"() ({
      %run_scoped3A = tpu.sem_alloc : memref<!tpu.dma_semaphore, #tpu.memory_space<semaphore_mem>>
      tpu.enqueue_dma source(%arg4 : memref<40x128xf32, #tpu.memory_space<hbm>>) target(%arg10 : memref<40x128xf32, #tpu.memory_space<vmem>>) target_semaphore(%run_scoped3A : memref<!tpu.dma_semaphore, #tpu.memory_space<semaphore_mem>>)
      tpu.wait_dma2 semaphore(%run_scoped3A : memref<!tpu.dma_semaphore, #tpu.memory_space<semaphore_mem>>) src(%arg4 : memref<40x128xf32, #tpu.memory_space<hbm>>) dst(%arg10 : memref<40x128xf32, #tpu.memory_space<vmem>>)
      tpu.yield
    }) : () -> ()
    %add3A_5 = arith.constant 0 : i32
    %add3A_6 = arith.addi %mul3A_2, %add3A_5 : i32
    %dma_start3A = arith.constant 0 : i32
    %dma_start3A_7 = tpu.memref_slice %arg16[%add3A_6, %dma_start3A] : memref<10240x128xf32, #tpu.memory_space<vmem_shared>> -> memref<40x128xf32, #tpu.memory_space<vmem_shared>>
    %dma_start3A_8 = arith.constant 0 : i32
    %dma_start3A_9 = tpu.memref_slice %arg16[%add3A_6, %dma_start3A_8] : memref<10240x128xf32, #tpu.memory_space<vmem_shared>> -> memref<40x128xf32, #tpu.memory_space<vmem_shared>>
    tpu.enqueue_dma source(%arg10 : memref<40x128xf32, #tpu.memory_space<vmem>>) target(%dma_start3A_9 : memref<40x128xf32, #tpu.memory_space<vmem_shared>>) target_semaphore(%arg12 : memref<!tpu.dma_semaphore, #tpu.memory_space<semaphore_mem>>)
    %add3A_10 = arith.constant 40 : i32
    %add3A_11 = arith.addi %mul3A_2, %add3A_10 : i32
    %dma_start3A_12 = arith.constant 0 : i32
    %dma_start3A_13 = tpu.memref_slice %arg16[%add3A_11, %dma_start3A_12] : memref<10240x128xf32, #tpu.memory_space<vmem_shared>> -> memref<40x128xf32, #tpu.memory_space<vmem_shared>>
    %dma_start3A_14 = arith.constant 0 : i32
    %dma_start3A_15 = tpu.memref_slice %arg16[%add3A_11, %dma_start3A_14] : memref<10240x128xf32, #tpu.memory_space<vmem_shared>> -> memref<40x128xf32, #tpu.memory_space<vmem_shared>>
    tpu.enqueue_dma source(%arg10 : memref<40x128xf32, #tpu.memory_space<vmem>>) target(%dma_start3A_15 : memref<40x128xf32, #tpu.memory_space<vmem_shared>>) target_semaphore(%arg12 : memref<!tpu.dma_semaphore, #tpu.memory_space<semaphore_mem>>)
    %add3A_16 = arith.constant 80 : i32
    %add3A_17 = arith.addi %mul3A_2, %add3A_16 : i32
    %dma_start3A_18 = arith.constant 0 : i32
    %dma_start3A_19 = tpu.memref_slice %arg16[%add3A_17, %dma_start3A_18] : memref<10240x128xf32, #tpu.memory_space<vmem_shared>> -> memref<40x128xf32, #tpu.memory_space<vmem_shared>>
    %dma_start3A_20 = arith.constant 0 : i32
    %dma_start3A_21 = tpu.memref_slice %arg16[%add3A_17, %dma_start3A_20] : memref<10240x128xf32, #tpu.memory_space<vmem_shared>> -> memref<40x128xf32, #tpu.memory_space<vmem_shared>>
    tpu.enqueue_dma source(%arg10 : memref<40x128xf32, #tpu.memory_space<vmem>>) target(%dma_start3A_21 : memref<40x128xf32, #tpu.memory_space<vmem_shared>>) target_semaphore(%arg12 : memref<!tpu.dma_semaphore, #tpu.memory_space<semaphore_mem>>)
    %add3A_22 = arith.constant 120 : i32
    %add3A_23 = arith.addi %mul3A_2, %add3A_22 : i32
    %dma_start3A_24 = arith.constant 0 : i32
    %dma_start3A_25 = tpu.memref_slice %arg16[%add3A_23, %dma_start3A_24] : memref<10240x128xf32, #tpu.memory_space<vmem_shared>> -> memref<40x128xf32, #tpu.memory_space<vmem_shared>>
    %dma_start3A_26 = arith.constant 0 : i32
    %dma_start3A_27 = tpu.memref_slice %arg16[%add3A_23, %dma_start3A_26] : memref<10240x128xf32, #tpu.memory_space<vmem_shared>> -> memref<40x128xf32, #tpu.memory_space<vmem_shared>>
    tpu.enqueue_dma source(%arg10 : memref<40x128xf32, #tpu.memory_space<vmem>>) target(%dma_start3A_27 : memref<40x128xf32, #tpu.memory_space<vmem_shared>>) target_semaphore(%arg12 : memref<!tpu.dma_semaphore, #tpu.memory_space<semaphore_mem>>)
    %add3A_28 = arith.constant 160 : i32
    %add3A_29 = arith.addi %mul3A_2, %add3A_28 : i32
    %dma_start3A_30 = arith.constant 0 : i32
    %dma_start3A_31 = tpu.memref_slice %arg16[%add3A_29, %dma_start3A_30] : memref<10240x128xf32, #tpu.memory_space<vmem_shared>> -> memref<40x128xf32, #tpu.memory_space<vmem_shared>>
    %dma_start3A_32 = arith.constant 0 : i32
    %dma_start3A_33 = tpu.memref_slice %arg16[%add3A_29, %dma_start3A_32] : memref<10240x128xf32, #tpu.memory_space<vmem_shared>> -> memref<40x128xf32, #tpu.memory_space<vmem_shared>>
    tpu.enqueue_dma source(%arg10 : memref<40x128xf32, #tpu.memory_space<vmem>>) target(%dma_start3A_33 : memref<40x128xf32, #tpu.memory_space<vmem_shared>>) target_semaphore(%arg12 : memref<!tpu.dma_semaphore, #tpu.memory_space<semaphore_mem>>)
    %add3A_34 = arith.constant 200 : i32
    %add3A_35 = arith.addi %mul3A_2, %add3A_34 : i32
    %dma_start3A_36 = arith.constant 0 : i32
    %dma_start3A_37 = tpu.memref_slice %arg16[%add3A_35, %dma_start3A_36] : memref<10240x128xf32, #tpu.memory_space<vmem_shared>> -> memref<40x128xf32, #tpu.memory_space<vmem_shared>>
    %dma_start3A_38 = arith.constant 0 : i32
    %dma_start3A_39 = tpu.memref_slice %arg16[%add3A_35, %dma_start3A_38] : memref<10240x128xf32, #tpu.memory_space<vmem_shared>> -> memref<40x128xf32, #tpu.memory_space<vmem_shared>>
    tpu.enqueue_dma source(%arg10 : memref<40x128xf32, #tpu.memory_space<vmem>>) target(%dma_start3A_39 : memref<40x128xf32, #tpu.memory_space<vmem_shared>>) target_semaphore(%arg12 : memref<!tpu.dma_semaphore, #tpu.memory_space<semaphore_mem>>)
    %add3A_40 = arith.constant 240 : i32
    %add3A_41 = arith.addi %mul3A_2, %add3A_40 : i32
    %dma_start3A_42 = arith.constant 0 : i32
    %dma_start3A_43 = tpu.memref_slice %arg16[%add3A_41, %dma_start3A_42] : memref<10240x128xf32, #tpu.memory_space<vmem_shared>> -> memref<40x128xf32, #tpu.memory_space<vmem_shared>>
    %dma_start3A_44 = arith.constant 0 : i32
    %dma_start3A_45 = tpu.memref_slice %arg16[%add3A_41, %dma_start3A_44] : memref<10240x128xf32, #tpu.memory_space<vmem_shared>> -> memref<40x128xf32, #tpu.memory_space<vmem_shared>>
    tpu.enqueue_dma source(%arg10 : memref<40x128xf32, #tpu.memory_space<vmem>>) target(%dma_start3A_45 : memref<40x128xf32, #tpu.memory_space<vmem_shared>>) target_semaphore(%arg12 : memref<!tpu.dma_semaphore, #tpu.memory_space<semaphore_mem>>)
    %add3A_46 = arith.constant 280 : i32
    %add3A_47 = arith.addi %mul3A_2, %add3A_46 : i32
    %dma_start3A_48 = arith.constant 0 : i32
    %dma_start3A_49 = tpu.memref_slice %arg16[%add3A_47, %dma_start3A_48] : memref<10240x128xf32, #tpu.memory_space<vmem_shared>> -> memref<40x128xf32, #tpu.memory_space<vmem_shared>>
    %dma_start3A_50 = arith.constant 0 : i32
    %dma_start3A_51 = tpu.memref_slice %arg16[%add3A_47, %dma_start3A_50] : memref<10240x128xf32, #tpu.memory_space<vmem_shared>> -> memref<40x128xf32, #tpu.memory_space<vmem_shared>>
    tpu.enqueue_dma source(%arg10 : memref<40x128xf32, #tpu.memory_space<vmem>>) target(%dma_start3A_51 : memref<40x128xf32, #tpu.memory_space<vmem_shared>>) target_semaphore(%arg12 : memref<!tpu.dma_semaphore, #tpu.memory_space<semaphore_mem>>)
    %add3A_52 = arith.constant 320 : i32
    %add3A_53 = arith.addi %mul3A_2, %add3A_52 : i32
    %dma_start3A_54 = arith.constant 0 : i32
    %dma_start3A_55 = tpu.memref_slice %arg16[%add3A_53, %dma_start3A_54] : memref<10240x128xf32, #tpu.memory_space<vmem_shared>> -> memref<40x128xf32, #tpu.memory_space<vmem_shared>>
    %dma_start3A_56 = arith.constant 0 : i32
    %dma_start3A_57 = tpu.memref_slice %arg16[%add3A_53, %dma_start3A_56] : memref<10240x128xf32, #tpu.memory_space<vmem_shared>> -> memref<40x128xf32, #tpu.memory_space<vmem_shared>>
    tpu.enqueue_dma source(%arg10 : memref<40x128xf32, #tpu.memory_space<vmem>>) target(%dma_start3A_57 : memref<40x128xf32, #tpu.memory_space<vmem_shared>>) target_semaphore(%arg12 : memref<!tpu.dma_semaphore, #tpu.memory_space<semaphore_mem>>)
    %add3A_58 = arith.constant 360 : i32
    %add3A_59 = arith.addi %mul3A_2, %add3A_58 : i32
    %dma_start3A_60 = arith.constant 0 : i32
    %dma_start3A_61 = tpu.memref_slice %arg16[%add3A_59, %dma_start3A_60] : memref<10240x128xf32, #tpu.memory_space<vmem_shared>> -> memref<40x128xf32, #tpu.memory_space<vmem_shared>>
    %dma_start3A_62 = arith.constant 0 : i32
    %dma_start3A_63 = tpu.memref_slice %arg16[%add3A_59, %dma_start3A_62] : memref<10240x128xf32, #tpu.memory_space<vmem_shared>> -> memref<40x128xf32, #tpu.memory_space<vmem_shared>>
    tpu.enqueue_dma source(%arg10 : memref<40x128xf32, #tpu.memory_space<vmem>>) target(%dma_start3A_63 : memref<40x128xf32, #tpu.memory_space<vmem_shared>>) target_semaphore(%arg12 : memref<!tpu.dma_semaphore, #tpu.memory_space<semaphore_mem>>)
    %add3A_64 = arith.constant 400 : i32
    %add3A_65 = arith.addi %mul3A_2, %add3A_64 : i32
    %dma_start3A_66 = arith.constant 0 : i32
    %dma_start3A_67 = tpu.memref_slice %arg16[%add3A_65, %dma_start3A_66] : memref<10240x128xf32, #tpu.memory_space<vmem_shared>> -> memref<40x128xf32, #tpu.memory_space<vmem_shared>>
    %dma_start3A_68 = arith.constant 0 : i32
    %dma_start3A_69 = tpu.memref_slice %arg16[%add3A_65, %dma_start3A_68] : memref<10240x128xf32, #tpu.memory_space<vmem_shared>> -> memref<40x128xf32, #tpu.memory_space<vmem_shared>>
    tpu.enqueue_dma source(%arg10 : memref<40x128xf32, #tpu.memory_space<vmem>>) target(%dma_start3A_69 : memref<40x128xf32, #tpu.memory_space<vmem_shared>>) target_semaphore(%arg12 : memref<!tpu.dma_semaphore, #tpu.memory_space<semaphore_mem>>)
    %add3A_70 = arith.constant 440 : i32
    %add3A_71 = arith.addi %mul3A_2, %add3A_70 : i32
    %dma_start3A_72 = arith.constant 0 : i32
    %dma_start3A_73 = tpu.memref_slice %arg16[%add3A_71, %dma_start3A_72] : memref<10240x128xf32, #tpu.memory_space<vmem_shared>> -> memref<40x128xf32, #tpu.memory_space<vmem_shared>>
    %dma_start3A_74 = arith.constant 0 : i32
    %dma_start3A_75 = tpu.memref_slice %arg16[%add3A_71, %dma_start3A_74] : memref<10240x128xf32, #tpu.memory_space<vmem_shared>> -> memref<40x128xf32, #tpu.memory_space<vmem_shared>>
    tpu.enqueue_dma source(%arg10 : memref<40x128xf32, #tpu.memory_space<vmem>>) target(%dma_start3A_75 : memref<40x128xf32, #tpu.memory_space<vmem_shared>>) target_semaphore(%arg12 : memref<!tpu.dma_semaphore, #tpu.memory_space<semaphore_mem>>)
    %add3A_76 = arith.constant 480 : i32
    %add3A_77 = arith.addi %mul3A_2, %add3A_76 : i32
    %dma_start3A_78 = arith.constant 0 : i32
    %dma_start3A_79 = tpu.memref_slice %arg16[%add3A_77, %dma_start3A_78] : memref<10240x128xf32, #tpu.memory_space<vmem_shared>> -> memref<40x128xf32, #tpu.memory_space<vmem_shared>>
    %dma_start3A_80 = arith.constant 0 : i32
    %dma_start3A_81 = tpu.memref_slice %arg16[%add3A_77, %dma_start3A_80] : memref<10240x128xf32, #tpu.memory_space<vmem_shared>> -> memref<40x128xf32, #tpu.memory_space<vmem_shared>>
    tpu.enqueue_dma source(%arg10 : memref<40x128xf32, #tpu.memory_space<vmem>>) target(%dma_start3A_81 : memref<40x128xf32, #tpu.memory_space<vmem_shared>>) target_semaphore(%arg12 : memref<!tpu.dma_semaphore, #tpu.memory_space<semaphore_mem>>)
    %add3A_82 = arith.constant 520 : i32
    %add3A_83 = arith.addi %mul3A_2, %add3A_82 : i32
    %dma_start3A_84 = arith.constant 0 : i32
    %dma_start3A_85 = tpu.memref_slice %arg16[%add3A_83, %dma_start3A_84] : memref<10240x128xf32, #tpu.memory_space<vmem_shared>> -> memref<40x128xf32, #tpu.memory_space<vmem_shared>>
    %dma_start3A_86 = arith.constant 0 : i32
    %dma_start3A_87 = tpu.memref_slice %arg16[%add3A_83, %dma_start3A_86] : memref<10240x128xf32, #tpu.memory_space<vmem_shared>> -> memref<40x128xf32, #tpu.memory_space<vmem_shared>>
    tpu.enqueue_dma source(%arg10 : memref<40x128xf32, #tpu.memory_space<vmem>>) target(%dma_start3A_87 : memref<40x128xf32, #tpu.memory_space<vmem_shared>>) target_semaphore(%arg12 : memref<!tpu.dma_semaphore, #tpu.memory_space<semaphore_mem>>)
    %add3A_88 = arith.constant 560 : i32
    %add3A_89 = arith.addi %mul3A_2, %add3A_88 : i32
    %dma_start3A_90 = arith.constant 0 : i32
    %dma_start3A_91 = tpu.memref_slice %arg16[%add3A_89, %dma_start3A_90] : memref<10240x128xf32, #tpu.memory_space<vmem_shared>> -> memref<40x128xf32, #tpu.memory_space<vmem_shared>>
    %dma_start3A_92 = arith.constant 0 : i32
    %dma_start3A_93 = tpu.memref_slice %arg16[%add3A_89, %dma_start3A_92] : memref<10240x128xf32, #tpu.memory_space<vmem_shared>> -> memref<40x128xf32, #tpu.memory_space<vmem_shared>>
    tpu.enqueue_dma source(%arg10 : memref<40x128xf32, #tpu.memory_space<vmem>>) target(%dma_start3A_93 : memref<40x128xf32, #tpu.memory_space<vmem_shared>>) target_semaphore(%arg12 : memref<!tpu.dma_semaphore, #tpu.memory_space<semaphore_mem>>)
    %add3A_94 = arith.constant 600 : i32
    %add3A_95 = arith.addi %mul3A_2, %add3A_94 : i32
    %dma_start3A_96 = arith.constant 0 : i32
    %dma_start3A_97 = tpu.memref_slice %arg16[%add3A_95, %dma_start3A_96] : memref<10240x128xf32, #tpu.memory_space<vmem_shared>> -> memref<40x128xf32, #tpu.memory_space<vmem_shared>>
    %dma_start3A_98 = arith.constant 0 : i32
    %dma_start3A_99 = tpu.memref_slice %arg16[%add3A_95, %dma_start3A_98] : memref<10240x128xf32, #tpu.memory_space<vmem_shared>> -> memref<40x128xf32, #tpu.memory_space<vmem_shared>>
    tpu.enqueue_dma source(%arg10 : memref<40x128xf32, #tpu.memory_space<vmem>>) target(%dma_start3A_99 : memref<40x128xf32, #tpu.memory_space<vmem_shared>>) target_semaphore(%arg12 : memref<!tpu.dma_semaphore, #tpu.memory_space<semaphore_mem>>)
    %dma_wait3A = arith.constant 0 : i32
    %dma_wait3A_100 = tpu.memref_slice %arg16[%mul3A_2, %dma_wait3A] : memref<10240x128xf32, #tpu.memory_space<vmem_shared>> -> memref<40x128xf32, #tpu.memory_space<vmem_shared>>
    %dma_wait3A_101 = arith.constant 0 : i32
    %dma_wait3A_102 = tpu.memref_slice %arg16[%mul3A_2, %dma_wait3A_101] : memref<10240x128xf32, #tpu.memory_space<vmem_shared>> -> memref<40x128xf32, #tpu.memory_space<vmem_shared>>
    tpu.wait_dma2 semaphore(%arg12 : memref<!tpu.dma_semaphore, #tpu.memory_space<semaphore_mem>>) src(%arg10 : memref<40x128xf32, #tpu.memory_space<vmem>>) dst(%dma_wait3A_102 : memref<40x128xf32, #tpu.memory_space<vmem_shared>>)
    %dma_wait3A_103 = arith.constant 0 : i32
    %dma_wait3A_104 = tpu.memref_slice %arg16[%mul3A_2, %dma_wait3A_103] : memref<10240x128xf32, #tpu.memory_space<vmem_shared>> -> memref<40x128xf32, #tpu.memory_space<vmem_shared>>
    %dma_wait3A_105 = arith.constant 0 : i32
    %dma_wait3A_106 = tpu.memref_slice %arg16[%mul3A_2, %dma_wait3A_105] : memref<10240x128xf32, #tpu.memory_space<vmem_shared>> -> memref<40x128xf32, #tpu.memory_space<vmem_shared>>
    tpu.wait_dma2 semaphore(%arg12 : memref<!tpu.dma_semaphore, #tpu.memory_space<semaphore_mem>>) src(%arg10 : memref<40x128xf32, #tpu.memory_space<vmem>>) dst(%dma_wait3A_106 : memref<40x128xf32, #tpu.memory_space<vmem_shared>>)
    %dma_wait3A_107 = arith.constant 0 : i32
    %dma_wait3A_108 = tpu.memref_slice %arg16[%mul3A_2, %dma_wait3A_107] : memref<10240x128xf32, #tpu.memory_space<vmem_shared>> -> memref<40x128xf32, #tpu.memory_space<vmem_shared>>
    %dma_wait3A_109 = arith.constant 0 : i32
    %dma_wait3A_110 = tpu.memref_slice %arg16[%mul3A_2, %dma_wait3A_109] : memref<10240x128xf32, #tpu.memory_space<vmem_shared>> -> memref<40x128xf32, #tpu.memory_space<vmem_shared>>
    tpu.wait_dma2 semaphore(%arg12 : memref<!tpu.dma_semaphore, #tpu.memory_space<semaphore_mem>>) src(%arg10 : memref<40x128xf32, #tpu.memory_space<vmem>>) dst(%dma_wait3A_110 : memref<40x128xf32, #tpu.memory_space<vmem_shared>>)
    %dma_wait3A_111 = arith.constant 0 : i32
    %dma_wait3A_112 = tpu.memref_slice %arg16[%mul3A_2, %dma_wait3A_111] : memref<10240x128xf32, #tpu.memory_space<vmem_shared>> -> memref<40x128xf32, #tpu.memory_space<vmem_shared>>
    %dma_wait3A_113 = arith.constant 0 : i32
    %dma_wait3A_114 = tpu.memref_slice %arg16[%mul3A_2, %dma_wait3A_113] : memref<10240x128xf32, #tpu.memory_space<vmem_shared>> -> memref<40x128xf32, #tpu.memory_space<vmem_shared>>
    tpu.wait_dma2 semaphore(%arg12 : memref<!tpu.dma_semaphore, #tpu.memory_space<semaphore_mem>>) src(%arg10 : memref<40x128xf32, #tpu.memory_space<vmem>>) dst(%dma_wait3A_114 : memref<40x128xf32, #tpu.memory_space<vmem_shared>>)
    %dma_wait3A_115 = arith.constant 0 : i32
    %dma_wait3A_116 = tpu.memref_slice %arg16[%mul3A_2, %dma_wait3A_115] : memref<10240x128xf32, #tpu.memory_space<vmem_shared>> -> memref<40x128xf32, #tpu.memory_space<vmem_shared>>
    %dma_wait3A_117 = arith.constant 0 : i32
    %dma_wait3A_118 = tpu.memref_slice %arg16[%mul3A_2, %dma_wait3A_117] : memref<10240x128xf32, #tpu.memory_space<vmem_shared>> -> memref<40x128xf32, #tpu.memory_space<vmem_shared>>
    tpu.wait_dma2 semaphore(%arg12 : memref<!tpu.dma_semaphore, #tpu.memory_space<semaphore_mem>>) src(%arg10 : memref<40x128xf32, #tpu.memory_space<vmem>>) dst(%dma_wait3A_118 : memref<40x128xf32, #tpu.memory_space<vmem_shared>>)
    %dma_wait3A_119 = arith.constant 0 : i32
    %dma_wait3A_120 = tpu.memref_slice %arg16[%mul3A_2, %dma_wait3A_119] : memref<10240x128xf32, #tpu.memory_space<vmem_shared>> -> memref<40x128xf32, #tpu.memory_space<vmem_shared>>
    %dma_wait3A_121 = arith.constant 0 : i32
    %dma_wait3A_122 = tpu.memref_slice %arg16[%mul3A_2, %dma_wait3A_121] : memref<10240x128xf32, #tpu.memory_space<vmem_shared>> -> memref<40x128xf32, #tpu.memory_space<vmem_shared>>
    tpu.wait_dma2 semaphore(%arg12 : memref<!tpu.dma_semaphore, #tpu.memory_space<semaphore_mem>>) src(%arg10 : memref<40x128xf32, #tpu.memory_space<vmem>>) dst(%dma_wait3A_122 : memref<40x128xf32, #tpu.memory_space<vmem_shared>>)
    %dma_wait3A_123 = arith.constant 0 : i32
    %dma_wait3A_124 = tpu.memref_slice %arg16[%mul3A_2, %dma_wait3A_123] : memref<10240x128xf32, #tpu.memory_space<vmem_shared>> -> memref<40x128xf32, #tpu.memory_space<vmem_shared>>
    %dma_wait3A_125 = arith.constant 0 : i32
    %dma_wait3A_126 = tpu.memref_slice %arg16[%mul3A_2, %dma_wait3A_125] : memref<10240x128xf32, #tpu.memory_space<vmem_shared>> -> memref<40x128xf32, #tpu.memory_space<vmem_shared>>
    tpu.wait_dma2 semaphore(%arg12 : memref<!tpu.dma_semaphore, #tpu.memory_space<semaphore_mem>>) src(%arg10 : memref<40x128xf32, #tpu.memory_space<vmem>>) dst(%dma_wait3A_126 : memref<40x128xf32, #tpu.memory_space<vmem_shared>>)
    %dma_wait3A_127 = arith.constant 0 : i32
    %dma_wait3A_128 = tpu.memref_slice %arg16[%mul3A_2, %dma_wait3A_127] : memref<10240x128xf32, #tpu.memory_space<vmem_shared>> -> memref<40x128xf32, #tpu.memory_space<vmem_shared>>
    %dma_wait3A_129 = arith.constant 0 : i32
    %dma_wait3A_130 = tpu.memref_slice %arg16[%mul3A_2, %dma_wait3A_129] : memref<10240x128xf32, #tpu.memory_space<vmem_shared>> -> memref<40x128xf32, #tpu.memory_space<vmem_shared>>
    tpu.wait_dma2 semaphore(%arg12 : memref<!tpu.dma_semaphore, #tpu.memory_space<semaphore_mem>>) src(%arg10 : memref<40x128xf32, #tpu.memory_space<vmem>>) dst(%dma_wait3A_130 : memref<40x128xf32, #tpu.memory_space<vmem_shared>>)
    %dma_wait3A_131 = arith.constant 0 : i32
    %dma_wait3A_132 = tpu.memref_slice %arg16[%mul3A_2, %dma_wait3A_131] : memref<10240x128xf32, #tpu.memory_space<vmem_shared>> -> memref<40x128xf32, #tpu.memory_space<vmem_shared>>
    %dma_wait3A_133 = arith.constant 0 : i32
    %dma_wait3A_134 = tpu.memref_slice %arg16[%mul3A_2, %dma_wait3A_133] : memref<10240x128xf32, #tpu.memory_space<vmem_shared>> -> memref<40x128xf32, #tpu.memory_space<vmem_shared>>
    tpu.wait_dma2 semaphore(%arg12 : memref<!tpu.dma_semaphore, #tpu.memory_space<semaphore_mem>>) src(%arg10 : memref<40x128xf32, #tpu.memory_space<vmem>>) dst(%dma_wait3A_134 : memref<40x128xf32, #tpu.memory_space<vmem_shared>>)
    %dma_wait3A_135 = arith.constant 0 : i32
    %dma_wait3A_136 = tpu.memref_slice %arg16[%mul3A_2, %dma_wait3A_135] : memref<10240x128xf32, #tpu.memory_space<vmem_shared>> -> memref<40x128xf32, #tpu.memory_space<vmem_shared>>
    %dma_wait3A_137 = arith.constant 0 : i32
    %dma_wait3A_138 = tpu.memref_slice %arg16[%mul3A_2, %dma_wait3A_137] : memref<10240x128xf32, #tpu.memory_space<vmem_shared>> -> memref<40x128xf32, #tpu.memory_space<vmem_shared>>
    tpu.wait_dma2 semaphore(%arg12 : memref<!tpu.dma_semaphore, #tpu.memory_space<semaphore_mem>>) src(%arg10 : memref<40x128xf32, #tpu.memory_space<vmem>>) dst(%dma_wait3A_138 : memref<40x128xf32, #tpu.memory_space<vmem_shared>>)
    %dma_wait3A_139 = arith.constant 0 : i32
    %dma_wait3A_140 = tpu.memref_slice %arg16[%mul3A_2, %dma_wait3A_139] : memref<10240x128xf32, #tpu.memory_space<vmem_shared>> -> memref<40x128xf32, #tpu.memory_space<vmem_shared>>
    %dma_wait3A_141 = arith.constant 0 : i32
    %dma_wait3A_142 = tpu.memref_slice %arg16[%mul3A_2, %dma_wait3A_141] : memref<10240x128xf32, #tpu.memory_space<vmem_shared>> -> memref<40x128xf32, #tpu.memory_space<vmem_shared>>
    tpu.wait_dma2 semaphore(%arg12 : memref<!tpu.dma_semaphore, #tpu.memory_space<semaphore_mem>>) src(%arg10 : memref<40x128xf32, #tpu.memory_space<vmem>>) dst(%dma_wait3A_142 : memref<40x128xf32, #tpu.memory_space<vmem_shared>>)
    %dma_wait3A_143 = arith.constant 0 : i32
    %dma_wait3A_144 = tpu.memref_slice %arg16[%mul3A_2, %dma_wait3A_143] : memref<10240x128xf32, #tpu.memory_space<vmem_shared>> -> memref<40x128xf32, #tpu.memory_space<vmem_shared>>
    %dma_wait3A_145 = arith.constant 0 : i32
    %dma_wait3A_146 = tpu.memref_slice %arg16[%mul3A_2, %dma_wait3A_145] : memref<10240x128xf32, #tpu.memory_space<vmem_shared>> -> memref<40x128xf32, #tpu.memory_space<vmem_shared>>
    tpu.wait_dma2 semaphore(%arg12 : memref<!tpu.dma_semaphore, #tpu.memory_space<semaphore_mem>>) src(%arg10 : memref<40x128xf32, #tpu.memory_space<vmem>>) dst(%dma_wait3A_146 : memref<40x128xf32, #tpu.memory_space<vmem_shared>>)
    %dma_wait3A_147 = arith.constant 0 : i32
    %dma_wait3A_148 = tpu.memref_slice %arg16[%mul3A_2, %dma_wait3A_147] : memref<10240x128xf32, #tpu.memory_space<vmem_shared>> -> memref<40x128xf32, #tpu.memory_space<vmem_shared>>
    %dma_wait3A_149 = arith.constant 0 : i32
    %dma_wait3A_150 = tpu.memref_slice %arg16[%mul3A_2, %dma_wait3A_149] : memref<10240x128xf32, #tpu.memory_space<vmem_shared>> -> memref<40x128xf32, #tpu.memory_space<vmem_shared>>
    tpu.wait_dma2 semaphore(%arg12 : memref<!tpu.dma_semaphore, #tpu.memory_space<semaphore_mem>>) src(%arg10 : memref<40x128xf32, #tpu.memory_space<vmem>>) dst(%dma_wait3A_150 : memref<40x128xf32, #tpu.memory_space<vmem_shared>>)
    %dma_wait3A_151 = arith.constant 0 : i32
    %dma_wait3A_152 = tpu.memref_slice %arg16[%mul3A_2, %dma_wait3A_151] : memref<10240x128xf32, #tpu.memory_space<vmem_shared>> -> memref<40x128xf32, #tpu.memory_space<vmem_shared>>
    %dma_wait3A_153 = arith.constant 0 : i32
    %dma_wait3A_154 = tpu.memref_slice %arg16[%mul3A_2, %dma_wait3A_153] : memref<10240x128xf32, #tpu.memory_space<vmem_shared>> -> memref<40x128xf32, #tpu.memory_space<vmem_shared>>
    tpu.wait_dma2 semaphore(%arg12 : memref<!tpu.dma_semaphore, #tpu.memory_space<semaphore_mem>>) src(%arg10 : memref<40x128xf32, #tpu.memory_space<vmem>>) dst(%dma_wait3A_154 : memref<40x128xf32, #tpu.memory_space<vmem_shared>>)
    %dma_wait3A_155 = arith.constant 0 : i32
    %dma_wait3A_156 = tpu.memref_slice %arg16[%mul3A_2, %dma_wait3A_155] : memref<10240x128xf32, #tpu.memory_space<vmem_shared>> -> memref<40x128xf32, #tpu.memory_space<vmem_shared>>
    %dma_wait3A_157 = arith.constant 0 : i32
    %dma_wait3A_158 = tpu.memref_slice %arg16[%mul3A_2, %dma_wait3A_157] : memref<10240x128xf32, #tpu.memory_space<vmem_shared>> -> memref<40x128xf32, #tpu.memory_space<vmem_shared>>
    tpu.wait_dma2 semaphore(%arg12 : memref<!tpu.dma_semaphore, #tpu.memory_space<semaphore_mem>>) src(%arg10 : memref<40x128xf32, #tpu.memory_space<vmem>>) dst(%dma_wait3A_158 : memref<40x128xf32, #tpu.memory_space<vmem_shared>>)
    %dma_wait3A_159 = arith.constant 0 : i32
    %dma_wait3A_160 = tpu.memref_slice %arg16[%mul3A_2, %dma_wait3A_159] : memref<10240x128xf32, #tpu.memory_space<vmem_shared>> -> memref<40x128xf32, #tpu.memory_space<vmem_shared>>
    %dma_wait3A_161 = arith.constant 0 : i32
    %dma_wait3A_162 = tpu.memref_slice %arg16[%mul3A_2, %dma_wait3A_161] : memref<10240x128xf32, #tpu.memory_space<vmem_shared>> -> memref<40x128xf32, #tpu.memory_space<vmem_shared>>
    tpu.wait_dma2 semaphore(%arg12 : memref<!tpu.dma_semaphore, #tpu.memory_space<semaphore_mem>>) src(%arg10 : memref<40x128xf32, #tpu.memory_space<vmem>>) dst(%dma_wait3A_162 : memref<40x128xf32, #tpu.memory_space<vmem_shared>>)
    %barrier3A = arith.constant 0 : index
    tpu.barrier barrier_id(%barrier3A)
    "tpu.region"() ({
      %run_scoped3A = tpu.sem_alloc : memref<!tpu.dma_semaphore, #tpu.memory_space<semaphore_mem>>
      %dma_start3A_240 = arith.constant 0 : i32
      %dma_start3A_241 = arith.constant 0 : i32
      %dma_start3A_242 = tpu.memref_slice %arg3[%mul3A_4, %dma_start3A_240, %dma_start3A_241] : memref<8002x2x40xi32, #tpu.memory_space<hbm>> -> memref<1x2x40xi32, #tpu.memory_space<hbm>>
      %dma_start3A_243 = tpu.memref_squeeze %dma_start3A_242 : memref<1x2x40xi32, #tpu.memory_space<hbm>> -> memref<2x40xi32, #tpu.memory_space<hbm>>
      %dma_start3A_244 = arith.constant 0 : i32
      %dma_start3A_245 = arith.constant 0 : i32
      %dma_start3A_246 = tpu.memref_slice %arg3[%mul3A_4, %dma_start3A_244, %dma_start3A_245] : memref<8002x2x40xi32, #tpu.memory_space<hbm>> -> memref<1x2x40xi32, #tpu.memory_space<hbm>>
      %dma_start3A_247 = tpu.memref_squeeze %dma_start3A_246 : memref<1x2x40xi32, #tpu.memory_space<hbm>> -> memref<2x40xi32, #tpu.memory_space<hbm>>
      tpu.enqueue_dma source(%dma_start3A_247 : memref<2x40xi32, #tpu.memory_space<hbm>>) target(%arg8 : memref<2x40xi32, #tpu.memory_space<vmem>>) target_semaphore(%run_scoped3A : memref<!tpu.dma_semaphore, #tpu.memory_space<semaphore_mem>>)
      %dma_wait3A_248 = arith.constant 0 : i32
      %dma_wait3A_249 = arith.constant 0 : i32
      %dma_wait3A_250 = tpu.memref_slice %arg3[%mul3A_4, %dma_wait3A_248, %dma_wait3A_249] : memref<8002x2x40xi32, #tpu.memory_space<hbm>> -> memref<1x2x40xi32, #tpu.memory_space<hbm>>
      %dma_wait3A_251 = tpu.memref_squeeze %dma_wait3A_250 : memref<1x2x40xi32, #tpu.memory_space<hbm>> -> memref<2x40xi32, #tpu.memory_space<hbm>>
      %dma_wait3A_252 = arith.constant 0 : i32
      %dma_wait3A_253 = arith.constant 0 : i32
      %dma_wait3A_254 = tpu.memref_slice %arg3[%mul3A_4, %dma_wait3A_252, %dma_wait3A_253] : memref<8002x2x40xi32, #tpu.memory_space<hbm>> -> memref<1x2x40xi32, #tpu.memory_space<hbm>>
      %dma_wait3A_255 = tpu.memref_squeeze %dma_wait3A_254 : memref<1x2x40xi32, #tpu.memory_space<hbm>> -> memref<2x40xi32, #tpu.memory_space<hbm>>
      tpu.wait_dma2 semaphore(%run_scoped3A : memref<!tpu.dma_semaphore, #tpu.memory_space<semaphore_mem>>) src(%dma_wait3A_255 : memref<2x40xi32, #tpu.memory_space<hbm>>) dst(%arg8 : memref<2x40xi32, #tpu.memory_space<vmem>>)
      tpu.yield
    }) : () -> ()
    %dma_start3A_163 = arith.constant 1 : i32
    %dma_start3A_164 = arith.constant 0 : i32
    %dma_start3A_165 = tpu.memref_slice %arg8[%dma_start3A_163, %dma_start3A_164] : memref<2x40xi32, #tpu.memory_space<vmem>> -> memref<1x40xi32, #tpu.memory_space<vmem>>
    %dma_start3A_166 = tpu.memref_squeeze %dma_start3A_165 : memref<1x40xi32, #tpu.memory_space<vmem>> -> memref<40xi32, #tpu.memory_space<vmem>>
    %dma_start3A_167 = arith.constant 0 : i32
    %dma_start3A_168 = arith.constant 0 : i32
    %dma_start3A_169 = tpu.memref_slice %arg2[%dma_start3A_167, %dma_start3A_168] : memref<10000x128xf32, #tpu.memory_space<hbm>> -> memref<10000x128xf32, #tpu.memory_space<hbm>>
    tpu.enqueue_indirect_dma source(%dma_start3A_169 : memref<10000x128xf32, #tpu.memory_space<hbm>>) target(%arg10 : memref<40x128xf32, #tpu.memory_space<vmem>>) offsets(%dma_start3A_166 : memref<40xi32, #tpu.memory_space<vmem>>) semaphore(%arg12 : memref<!tpu.dma_semaphore, #tpu.memory_space<semaphore_mem>>)
    %add3A_170 = arith.constant 1 : i32
    %add3A_171 = arith.addi %mul3A_4, %add3A_170 : i32
    %dma_start3A_172 = arith.constant 0 : i32
    %dma_start3A_173 = arith.constant 0 : i32
    %dma_start3A_174 = tpu.memref_slice %arg3[%add3A_171, %dma_start3A_172, %dma_start3A_173] : memref<8002x2x40xi32, #tpu.memory_space<hbm>> -> memref<1x2x40xi32, #tpu.memory_space<hbm>>
    %dma_start3A_175 = tpu.memref_squeeze %dma_start3A_174 : memref<1x2x40xi32, #tpu.memory_space<hbm>> -> memref<2x40xi32, #tpu.memory_space<hbm>>
    %dma_start3A_176 = arith.constant 0 : i32
    %dma_start3A_177 = arith.constant 0 : i32
    %dma_start3A_178 = tpu.memref_slice %arg3[%add3A_171, %dma_start3A_176, %dma_start3A_177] : memref<8002x2x40xi32, #tpu.memory_space<hbm>> -> memref<1x2x40xi32, #tpu.memory_space<hbm>>
    %dma_start3A_179 = tpu.memref_squeeze %dma_start3A_178 : memref<1x2x40xi32, #tpu.memory_space<hbm>> -> memref<2x40xi32, #tpu.memory_space<hbm>>
    tpu.enqueue_dma source(%dma_start3A_179 : memref<2x40xi32, #tpu.memory_space<hbm>>) target(%arg9 : memref<2x40xi32, #tpu.memory_space<vmem>>) target_semaphore(%arg15 : memref<!tpu.dma_semaphore, #tpu.memory_space<semaphore_mem>>)
    %scan3A = arith.constant 0 : i32
    %scan3A_180 = arith.constant 0 : i32
    %scan3A_181 = arith.constant 125 : i32
    %scan3A_182 = arith.addi %scan3A_180, %scan3A_181 : i32
    %scan3A_183 = arith.constant 1 : i32
    scf.for %scan3A_240 = %scan3A_180 to %scan3A_182 step %scan3A_183  : i32 {
      %mul3A_241 = arith.constant 2 : i32
      %mul3A_242 = arith.muli %mul3A_241, %scan3A_240 : i32
      %add3A_243 = arith.addi %mul3A_4, %mul3A_242 : i32
      %dma_wait3A_244 = arith.constant 0 : i32
      %dma_wait3A_245 = arith.constant 0 : i32
      %dma_wait3A_246 = arith.constant 0 : i32
      %dma_wait3A_247 = tpu.memref_slice %arg3[%dma_wait3A_244, %dma_wait3A_245, %dma_wait3A_246] : memref<8002x2x40xi32, #tpu.memory_space<hbm>> -> memref<1x2x40xi32, #tpu.memory_space<hbm>>
      %dma_wait3A_248 = tpu.memref_squeeze %dma_wait3A_247 : memref<1x2x40xi32, #tpu.memory_space<hbm>> -> memref<2x40xi32, #tpu.memory_space<hbm>>
      %dma_wait3A_249 = arith.constant 0 : i32
      %dma_wait3A_250 = arith.constant 0 : i32
      %dma_wait3A_251 = tpu.memref_slice %arg3[%dma_wait3A_244, %dma_wait3A_249, %dma_wait3A_250] : memref<8002x2x40xi32, #tpu.memory_space<hbm>> -> memref<1x2x40xi32, #tpu.memory_space<hbm>>
      %dma_wait3A_252 = tpu.memref_squeeze %dma_wait3A_251 : memref<1x2x40xi32, #tpu.memory_space<hbm>> -> memref<2x40xi32, #tpu.memory_space<hbm>>
      tpu.wait_dma2 semaphore(%arg15 : memref<!tpu.dma_semaphore, #tpu.memory_space<semaphore_mem>>) src(%dma_wait3A_252 : memref<2x40xi32, #tpu.memory_space<hbm>>) dst(%arg9 : memref<2x40xi32, #tpu.memory_space<vmem>>)
      %dma_start3A_253 = arith.constant 1 : i32
      %dma_start3A_254 = arith.constant 0 : i32
      %dma_start3A_255 = tpu.memref_slice %arg9[%dma_start3A_253, %dma_start3A_254] : memref<2x40xi32, #tpu.memory_space<vmem>> -> memref<1x40xi32, #tpu.memory_space<vmem>>
      %dma_start3A_256 = tpu.memref_squeeze %dma_start3A_255 : memref<1x40xi32, #tpu.memory_space<vmem>> -> memref<40xi32, #tpu.memory_space<vmem>>
      %dma_start3A_257 = arith.constant 0 : i32
      %dma_start3A_258 = arith.constant 0 : i32
      %dma_start3A_259 = tpu.memref_slice %arg2[%dma_start3A_257, %dma_start3A_258] : memref<10000x128xf32, #tpu.memory_space<hbm>> -> memref<10000x128xf32, #tpu.memory_space<hbm>>
      tpu.enqueue_indirect_dma source(%dma_start3A_259 : memref<10000x128xf32, #tpu.memory_space<hbm>>) target(%arg11 : memref<40x128xf32, #tpu.memory_space<vmem>>) offsets(%dma_start3A_256 : memref<40xi32, #tpu.memory_space<vmem>>) semaphore(%arg13 : memref<!tpu.dma_semaphore, #tpu.memory_space<semaphore_mem>>)
      %dma_wait3A_260 = arith.constant 0 : i32
      %dma_wait3A_261 = arith.constant 0 : i32
      %dma_wait3A_262 = tpu.memref_slice %arg2[%dma_wait3A_260, %dma_wait3A_261] : memref<10000x128xf32, #tpu.memory_space<hbm>> -> memref<40x128xf32, #tpu.memory_space<hbm>>
      %dma_wait3A_263 = arith.constant 0 : i32
      %dma_wait3A_264 = arith.constant 0 : i32
      %dma_wait3A_265 = tpu.memref_slice %arg2[%dma_wait3A_263, %dma_wait3A_264] : memref<10000x128xf32, #tpu.memory_space<hbm>> -> memref<40x128xf32, #tpu.memory_space<hbm>>
      tpu.wait_dma2 semaphore(%arg12 : memref<!tpu.dma_semaphore, #tpu.memory_space<semaphore_mem>>) src(%dma_wait3A_265 : memref<40x128xf32, #tpu.memory_space<hbm>>) dst(%arg10 : memref<40x128xf32, #tpu.memory_space<vmem>>)
      %run_scoped3A = arith.constant 0 : i32
      "tpu.region"() ({
        %run_scoped3A_309 = tpu.sem_alloc : memref<!tpu.dma_semaphore, #tpu.memory_space<semaphore_mem>>
        %dma_start3A_310 = arith.constant 0 : i32
        %dma_start3A_311 = tpu.memref_slice %arg8[%run_scoped3A, %dma_start3A_310] : memref<2x40xi32, #tpu.memory_space<vmem>> -> memref<1x40xi32, #tpu.memory_space<vmem>>
        %dma_start3A_312 = tpu.memref_squeeze %dma_start3A_311 : memref<1x40xi32, #tpu.memory_space<vmem>> -> memref<40xi32, #tpu.memory_space<vmem>>
        %dma_start3A_313 = arith.constant 0 : i32
        %dma_start3A_314 = arith.constant 0 : i32
        %dma_start3A_315 = tpu.memref_slice %arg16[%dma_start3A_313, %dma_start3A_314] : memref<10240x128xf32, #tpu.memory_space<vmem_shared>> -> memref<10240x128xf32, #tpu.memory_space<vmem_shared>>
        tpu.enqueue_indirect_dma source(%arg10 : memref<40x128xf32, #tpu.memory_space<vmem>>) target(%dma_start3A_315 : memref<10240x128xf32, #tpu.memory_space<vmem_shared>>) offsets(%dma_start3A_312 : memref<40xi32, #tpu.memory_space<vmem>>) semaphore(%run_scoped3A_309 : memref<!tpu.dma_semaphore, #tpu.memory_space<semaphore_mem>>) {add = true}
        %dma_wait3A_316 = arith.constant 0 : i32
        %dma_wait3A_317 = tpu.memref_slice %arg8[%run_scoped3A, %dma_wait3A_316] : memref<2x40xi32, #tpu.memory_space<vmem>> -> memref<1x40xi32, #tpu.memory_space<vmem>>
        %dma_wait3A_318 = tpu.memref_squeeze %dma_wait3A_317 : memref<1x40xi32, #tpu.memory_space<vmem>> -> memref<40xi32, #tpu.memory_space<vmem>>
        %dma_wait3A_319 = arith.constant 0 : i32
        %dma_wait3A_320 = arith.constant 0 : i32
        %dma_wait3A_321 = tpu.memref_slice %arg16[%dma_wait3A_319, %dma_wait3A_320] : memref<10240x128xf32, #tpu.memory_space<vmem_shared>> -> memref<10240x128xf32, #tpu.memory_space<vmem_shared>>
        tpu.wait_indirect_dma semaphore(%run_scoped3A_309 : memref<!tpu.dma_semaphore, #tpu.memory_space<semaphore_mem>>) src(%arg10 : memref<40x128xf32, #tpu.memory_space<vmem>>) dst(%dma_wait3A_321 : memref<10240x128xf32, #tpu.memory_space<vmem_shared>>)
        tpu.yield
      }) : () -> ()
      %add3A_266 = arith.constant 2 : i32
      %add3A_267 = arith.addi %add3A_243, %add3A_266 : i32
      %dma_start3A_268 = arith.constant 0 : i32
      %dma_start3A_269 = arith.constant 0 : i32
      %dma_start3A_270 = tpu.memref_slice %arg3[%add3A_267, %dma_start3A_268, %dma_start3A_269] : memref<8002x2x40xi32, #tpu.memory_space<hbm>> -> memref<1x2x40xi32, #tpu.memory_space<hbm>>
      %dma_start3A_271 = tpu.memref_squeeze %dma_start3A_270 : memref<1x2x40xi32, #tpu.memory_space<hbm>> -> memref<2x40xi32, #tpu.memory_space<hbm>>
      %dma_start3A_272 = arith.constant 0 : i32
      %dma_start3A_273 = arith.constant 0 : i32
      %dma_start3A_274 = tpu.memref_slice %arg3[%add3A_267, %dma_start3A_272, %dma_start3A_273] : memref<8002x2x40xi32, #tpu.memory_space<hbm>> -> memref<1x2x40xi32, #tpu.memory_space<hbm>>
      %dma_start3A_275 = tpu.memref_squeeze %dma_start3A_274 : memref<1x2x40xi32, #tpu.memory_space<hbm>> -> memref<2x40xi32, #tpu.memory_space<hbm>>
      tpu.enqueue_dma source(%dma_start3A_275 : memref<2x40xi32, #tpu.memory_space<hbm>>) target(%arg8 : memref<2x40xi32, #tpu.memory_space<vmem>>) target_semaphore(%arg14 : memref<!tpu.dma_semaphore, #tpu.memory_space<semaphore_mem>>)
      %dma_wait3A_276 = arith.constant 0 : i32
      %dma_wait3A_277 = arith.constant 0 : i32
      %dma_wait3A_278 = arith.constant 0 : i32
      %dma_wait3A_279 = tpu.memref_slice %arg3[%dma_wait3A_276, %dma_wait3A_277, %dma_wait3A_278] : memref<8002x2x40xi32, #tpu.memory_space<hbm>> -> memref<1x2x40xi32, #tpu.memory_space<hbm>>
      %dma_wait3A_280 = tpu.memref_squeeze %dma_wait3A_279 : memref<1x2x40xi32, #tpu.memory_space<hbm>> -> memref<2x40xi32, #tpu.memory_space<hbm>>
      %dma_wait3A_281 = arith.constant 0 : i32
      %dma_wait3A_282 = arith.constant 0 : i32
      %dma_wait3A_283 = tpu.memref_slice %arg3[%dma_wait3A_276, %dma_wait3A_281, %dma_wait3A_282] : memref<8002x2x40xi32, #tpu.memory_space<hbm>> -> memref<1x2x40xi32, #tpu.memory_space<hbm>>
      %dma_wait3A_284 = tpu.memref_squeeze %dma_wait3A_283 : memref<1x2x40xi32, #tpu.memory_space<hbm>> -> memref<2x40xi32, #tpu.memory_space<hbm>>
      tpu.wait_dma2 semaphore(%arg14 : memref<!tpu.dma_semaphore, #tpu.memory_space<semaphore_mem>>) src(%dma_wait3A_284 : memref<2x40xi32, #tpu.memory_space<hbm>>) dst(%arg8 : memref<2x40xi32, #tpu.memory_space<vmem>>)
      %dma_start3A_285 = arith.constant 1 : i32
      %dma_start3A_286 = arith.constant 0 : i32
      %dma_start3A_287 = tpu.memref_slice %arg8[%dma_start3A_285, %dma_start3A_286] : memref<2x40xi32, #tpu.memory_space<vmem>> -> memref<1x40xi32, #tpu.memory_space<vmem>>
      %dma_start3A_288 = tpu.memref_squeeze %dma_start3A_287 : memref<1x40xi32, #tpu.memory_space<vmem>> -> memref<40xi32, #tpu.memory_space<vmem>>
      %dma_start3A_289 = arith.constant 0 : i32
      %dma_start3A_290 = arith.constant 0 : i32
      %dma_start3A_291 = tpu.memref_slice %arg2[%dma_start3A_289, %dma_start3A_290] : memref<10000x128xf32, #tpu.memory_space<hbm>> -> memref<10000x128xf32, #tpu.memory_space<hbm>>
      tpu.enqueue_indirect_dma source(%dma_start3A_291 : memref<10000x128xf32, #tpu.memory_space<hbm>>) target(%arg10 : memref<40x128xf32, #tpu.memory_space<vmem>>) offsets(%dma_start3A_288 : memref<40xi32, #tpu.memory_space<vmem>>) semaphore(%arg12 : memref<!tpu.dma_semaphore, #tpu.memory_space<semaphore_mem>>)
      %dma_wait3A_292 = arith.constant 0 : i32
      %dma_wait3A_293 = arith.constant 0 : i32
      %dma_wait3A_294 = tpu.memref_slice %arg2[%dma_wait3A_292, %dma_wait3A_293] : memref<10000x128xf32, #tpu.memory_space<hbm>> -> memref<40x128xf32, #tpu.memory_space<hbm>>
      %dma_wait3A_295 = arith.constant 0 : i32
      %dma_wait3A_296 = arith.constant 0 : i32
      %dma_wait3A_297 = tpu.memref_slice %arg2[%dma_wait3A_295, %dma_wait3A_296] : memref<10000x128xf32, #tpu.memory_space<hbm>> -> memref<40x128xf32, #tpu.memory_space<hbm>>
      tpu.wait_dma2 semaphore(%arg13 : memref<!tpu.dma_semaphore, #tpu.memory_space<semaphore_mem>>) src(%dma_wait3A_297 : memref<40x128xf32, #tpu.memory_space<hbm>>) dst(%arg11 : memref<40x128xf32, #tpu.memory_space<vmem>>)
      %run_scoped3A_298 = arith.constant 0 : i32
      "tpu.region"() ({
        %run_scoped3A_309 = tpu.sem_alloc : memref<!tpu.dma_semaphore, #tpu.memory_space<semaphore_mem>>
        %dma_start3A_310 = arith.constant 0 : i32
        %dma_start3A_311 = tpu.memref_slice %arg9[%run_scoped3A_298, %dma_start3A_310] : memref<2x40xi32, #tpu.memory_space<vmem>> -> memref<1x40xi32, #tpu.memory_space<vmem>>
        %dma_start3A_312 = tpu.memref_squeeze %dma_start3A_311 : memref<1x40xi32, #tpu.memory_space<vmem>> -> memref<40xi32, #tpu.memory_space<vmem>>
        %dma_start3A_313 = arith.constant 0 : i32
        %dma_start3A_314 = arith.constant 0 : i32
        %dma_start3A_315 = tpu.memref_slice %arg16[%dma_start3A_313, %dma_start3A_314] : memref<10240x128xf32, #tpu.memory_space<vmem_shared>> -> memref<10240x128xf32, #tpu.memory_space<vmem_shared>>
        tpu.enqueue_indirect_dma source(%arg11 : memref<40x128xf32, #tpu.memory_space<vmem>>) target(%dma_start3A_315 : memref<10240x128xf32, #tpu.memory_space<vmem_shared>>) offsets(%dma_start3A_312 : memref<40xi32, #tpu.memory_space<vmem>>) semaphore(%run_scoped3A_309 : memref<!tpu.dma_semaphore, #tpu.memory_space<semaphore_mem>>) {add = true}
        %dma_wait3A_316 = arith.constant 0 : i32
        %dma_wait3A_317 = tpu.memref_slice %arg9[%run_scoped3A_298, %dma_wait3A_316] : memref<2x40xi32, #tpu.memory_space<vmem>> -> memref<1x40xi32, #tpu.memory_space<vmem>>
        %dma_wait3A_318 = tpu.memref_squeeze %dma_wait3A_317 : memref<1x40xi32, #tpu.memory_space<vmem>> -> memref<40xi32, #tpu.memory_space<vmem>>
        %dma_wait3A_319 = arith.constant 0 : i32
        %dma_wait3A_320 = arith.constant 0 : i32
        %dma_wait3A_321 = tpu.memref_slice %arg16[%dma_wait3A_319, %dma_wait3A_320] : memref<10240x128xf32, #tpu.memory_space<vmem_shared>> -> memref<10240x128xf32, #tpu.memory_space<vmem_shared>>
        tpu.wait_indirect_dma semaphore(%run_scoped3A_309 : memref<!tpu.dma_semaphore, #tpu.memory_space<semaphore_mem>>) src(%arg11 : memref<40x128xf32, #tpu.memory_space<vmem>>) dst(%dma_wait3A_321 : memref<10240x128xf32, #tpu.memory_space<vmem_shared>>)
        tpu.yield
      }) : () -> ()
      %add3A_299 = arith.constant 3 : i32
      %add3A_300 = arith.addi %add3A_243, %add3A_299 : i32
      %dma_start3A_301 = arith.constant 0 : i32
      %dma_start3A_302 = arith.constant 0 : i32
      %dma_start3A_303 = tpu.memref_slice %arg3[%add3A_300, %dma_start3A_301, %dma_start3A_302] : memref<8002x2x40xi32, #tpu.memory_space<hbm>> -> memref<1x2x40xi32, #tpu.memory_space<hbm>>
      %dma_start3A_304 = tpu.memref_squeeze %dma_start3A_303 : memref<1x2x40xi32, #tpu.memory_space<hbm>> -> memref<2x40xi32, #tpu.memory_space<hbm>>
      %dma_start3A_305 = arith.constant 0 : i32
      %dma_start3A_306 = arith.constant 0 : i32
      %dma_start3A_307 = tpu.memref_slice %arg3[%add3A_300, %dma_start3A_305, %dma_start3A_306] : memref<8002x2x40xi32, #tpu.memory_space<hbm>> -> memref<1x2x40xi32, #tpu.memory_space<hbm>>
      %dma_start3A_308 = tpu.memref_squeeze %dma_start3A_307 : memref<1x2x40xi32, #tpu.memory_space<hbm>> -> memref<2x40xi32, #tpu.memory_space<hbm>>
      tpu.enqueue_dma source(%dma_start3A_308 : memref<2x40xi32, #tpu.memory_space<hbm>>) target(%arg9 : memref<2x40xi32, #tpu.memory_space<vmem>>) target_semaphore(%arg15 : memref<!tpu.dma_semaphore, #tpu.memory_space<semaphore_mem>>)
    }
    %scan3A_184 = arith.constant 125 : i32
    %dma_wait3A_185 = arith.constant 0 : i32
    %dma_wait3A_186 = arith.constant 0 : i32
    %dma_wait3A_187 = arith.constant 0 : i32
    %dma_wait3A_188 = tpu.memref_slice %arg3[%dma_wait3A_185, %dma_wait3A_186, %dma_wait3A_187] : memref<8002x2x40xi32, #tpu.memory_space<hbm>> -> memref<1x2x40xi32, #tpu.memory_space<hbm>>
    %dma_wait3A_189 = tpu.memref_squeeze %dma_wait3A_188 : memref<1x2x40xi32, #tpu.memory_space<hbm>> -> memref<2x40xi32, #tpu.memory_space<hbm>>
    %dma_wait3A_190 = arith.constant 0 : i32
    %dma_wait3A_191 = arith.constant 0 : i32
    %dma_wait3A_192 = tpu.memref_slice %arg3[%dma_wait3A_185, %dma_wait3A_190, %dma_wait3A_191] : memref<8002x2x40xi32, #tpu.memory_space<hbm>> -> memref<1x2x40xi32, #tpu.memory_space<hbm>>
    %dma_wait3A_193 = tpu.memref_squeeze %dma_wait3A_192 : memref<1x2x40xi32, #tpu.memory_space<hbm>> -> memref<2x40xi32, #tpu.memory_space<hbm>>
    tpu.wait_dma2 semaphore(%arg15 : memref<!tpu.dma_semaphore, #tpu.memory_space<semaphore_mem>>) src(%dma_wait3A_193 : memref<2x40xi32, #tpu.memory_space<hbm>>) dst(%arg9 : memref<2x40xi32, #tpu.memory_space<vmem>>)
    %dma_wait3A_194 = arith.constant 0 : i32
    %dma_wait3A_195 = arith.constant 0 : i32
    %dma_wait3A_196 = tpu.memref_slice %arg2[%dma_wait3A_194, %dma_wait3A_195] : memref<10000x128xf32, #tpu.memory_space<hbm>> -> memref<40x128xf32, #tpu.memory_space<hbm>>
    %dma_wait3A_197 = arith.constant 0 : i32
    %dma_wait3A_198 = arith.constant 0 : i32
    %dma_wait3A_199 = tpu.memref_slice %arg2[%dma_wait3A_197, %dma_wait3A_198] : memref<10000x128xf32, #tpu.memory_space<hbm>> -> memref<40x128xf32, #tpu.memory_space<hbm>>
    tpu.wait_dma2 semaphore(%arg12 : memref<!tpu.dma_semaphore, #tpu.memory_space<semaphore_mem>>) src(%dma_wait3A_199 : memref<40x128xf32, #tpu.memory_space<hbm>>) dst(%arg10 : memref<40x128xf32, #tpu.memory_space<vmem>>)
    %barrier3A_200 = arith.constant 0 : index
    tpu.barrier barrier_id(%barrier3A_200)
    %scan3A_201 = arith.constant 0 : i32
    %scan3A_202 = arith.constant 0 : i32
    %scan3A_203 = arith.constant 16 : i32
    %scan3A_204 = arith.addi %scan3A_202, %scan3A_203 : i32
    %scan3A_205 = arith.constant 1 : i32
    scf.for %scan3A_240 = %scan3A_202 to %scan3A_204 step %scan3A_205  : i32 {
      %mul3A_241 = arith.constant 40 : i32
      %mul3A_242 = arith.muli %scan3A_240, %mul3A_241 : i32
      %add3A_243 = arith.addi %mul3A_2, %mul3A_242 : i32
      "tpu.region"() ({
        %run_scoped3A = tpu.sem_alloc : memref<!tpu.dma_semaphore, #tpu.memory_space<semaphore_mem>>
        %dma_start3A_244 = arith.constant 0 : i32
        %dma_start3A_245 = tpu.memref_slice %arg16[%add3A_243, %dma_start3A_244] : memref<10240x128xf32, #tpu.memory_space<vmem_shared>> -> memref<40x128xf32, #tpu.memory_space<vmem_shared>>
        %dma_start3A_246 = arith.constant 0 : i32
        %dma_start3A_247 = tpu.memref_slice %arg16[%add3A_243, %dma_start3A_246] : memref<10240x128xf32, #tpu.memory_space<vmem_shared>> -> memref<40x128xf32, #tpu.memory_space<vmem_shared>>
        tpu.enqueue_dma source(%dma_start3A_247 : memref<40x128xf32, #tpu.memory_space<vmem_shared>>) target(%arg10 : memref<40x128xf32, #tpu.memory_space<vmem>>) target_semaphore(%run_scoped3A : memref<!tpu.dma_semaphore, #tpu.memory_space<semaphore_mem>>)
        %dma_wait3A_248 = arith.constant 0 : i32
        %dma_wait3A_249 = tpu.memref_slice %arg16[%add3A_243, %dma_wait3A_248] : memref<10240x128xf32, #tpu.memory_space<vmem_shared>> -> memref<40x128xf32, #tpu.memory_space<vmem_shared>>
        %dma_wait3A_250 = arith.constant 0 : i32
        %dma_wait3A_251 = tpu.memref_slice %arg16[%add3A_243, %dma_wait3A_250] : memref<10240x128xf32, #tpu.memory_space<vmem_shared>> -> memref<40x128xf32, #tpu.memory_space<vmem_shared>>
        tpu.wait_dma2 semaphore(%run_scoped3A : memref<!tpu.dma_semaphore, #tpu.memory_space<semaphore_mem>>) src(%dma_wait3A_251 : memref<40x128xf32, #tpu.memory_space<vmem_shared>>) dst(%arg10 : memref<40x128xf32, #tpu.memory_space<vmem>>)
        tpu.yield
      }) : () -> ()
      "tpu.region"() ({
        %run_scoped3A = tpu.sem_alloc : memref<!tpu.dma_semaphore, #tpu.memory_space<semaphore_mem>>
        %dma_start3A_244 = arith.constant 0 : i32
        %dma_start3A_245 = tpu.memref_slice %arg6[%arg0, %add3A_243, %dma_start3A_244] : memref<2x10240x128xf32, #tpu.memory_space<hbm>> -> memref<1x40x128xf32, #tpu.memory_space<hbm>>
        %dma_start3A_246 = tpu.memref_squeeze %dma_start3A_245 : memref<1x40x128xf32, #tpu.memory_space<hbm>> -> memref<40x128xf32, #tpu.memory_space<hbm>>
        %dma_start3A_247 = arith.constant 0 : i32
        %dma_start3A_248 = tpu.memref_slice %arg6[%arg0, %add3A_243, %dma_start3A_247] : memref<2x10240x128xf32, #tpu.memory_space<hbm>> -> memref<1x40x128xf32, #tpu.memory_space<hbm>>
        %dma_start3A_249 = tpu.memref_squeeze %dma_start3A_248 : memref<1x40x128xf32, #tpu.memory_space<hbm>> -> memref<40x128xf32, #tpu.memory_space<hbm>>
        tpu.enqueue_dma source(%arg10 : memref<40x128xf32, #tpu.memory_space<vmem>>) target(%dma_start3A_249 : memref<40x128xf32, #tpu.memory_space<hbm>>) target_semaphore(%run_scoped3A : memref<!tpu.dma_semaphore, #tpu.memory_space<semaphore_mem>>)
        %dma_wait3A_250 = arith.constant 0 : i32
        %dma_wait3A_251 = tpu.memref_slice %arg6[%arg0, %add3A_243, %dma_wait3A_250] : memref<2x10240x128xf32, #tpu.memory_space<hbm>> -> memref<1x40x128xf32, #tpu.memory_space<hbm>>
        %dma_wait3A_252 = tpu.memref_squeeze %dma_wait3A_251 : memref<1x40x128xf32, #tpu.memory_space<hbm>> -> memref<40x128xf32, #tpu.memory_space<hbm>>
        %dma_wait3A_253 = arith.constant 0 : i32
        %dma_wait3A_254 = tpu.memref_slice %arg6[%arg0, %add3A_243, %dma_wait3A_253] : memref<2x10240x128xf32, #tpu.memory_space<hbm>> -> memref<1x40x128xf32, #tpu.memory_space<hbm>>
        %dma_wait3A_255 = tpu.memref_squeeze %dma_wait3A_254 : memref<1x40x128xf32, #tpu.memory_space<hbm>> -> memref<40x128xf32, #tpu.memory_space<hbm>>
        tpu.wait_dma2 semaphore(%run_scoped3A : memref<!tpu.dma_semaphore, #tpu.memory_space<semaphore_mem>>) src(%arg10 : memref<40x128xf32, #tpu.memory_space<vmem>>) dst(%dma_wait3A_255 : memref<40x128xf32, #tpu.memory_space<hbm>>)
        tpu.yield
      }) : () -> ()
    }
    %scan3A_206 = arith.constant 16 : i32
    "tpu.region"() ({
      %run_scoped3A = tpu.sem_alloc : memref<!tpu.dma_semaphore, #tpu.memory_space<semaphore_mem>>
      tpu.enqueue_dma source(%arg5 : memref<40x128xf32, #tpu.memory_space<hbm>>) target(%arg11 : memref<40x128xf32, #tpu.memory_space<vmem>>) target_semaphore(%run_scoped3A : memref<!tpu.dma_semaphore, #tpu.memory_space<semaphore_mem>>)
      tpu.wait_dma2 semaphore(%run_scoped3A : memref<!tpu.dma_semaphore, #tpu.memory_space<semaphore_mem>>) src(%arg5 : memref<40x128xf32, #tpu.memory_space<hbm>>) dst(%arg11 : memref<40x128xf32, #tpu.memory_space<vmem>>)
      tpu.yield
    }) : () -> ()
    %barrier3A_207 = arith.constant 0 : index
    tpu.barrier barrier_id(%barrier3A_207)
    "tpu.region"() ({
      %run_scoped3A = tpu.sem_alloc : memref<!tpu.dma_semaphore, #tpu.memory_space<semaphore_mem>>
      %dma_start3A_240 = arith.constant 0 : i32
      %dma_start3A_241 = arith.constant 0 : i32
      %dma_start3A_242 = tpu.memref_slice %arg3[%mul3A_4, %dma_start3A_240, %dma_start3A_241] : memref<8002x2x40xi32, #tpu.memory_space<hbm>> -> memref<1x2x40xi32, #tpu.memory_space<hbm>>
      %dma_start3A_243 = tpu.memref_squeeze %dma_start3A_242 : memref<1x2x40xi32, #tpu.memory_space<hbm>> -> memref<2x40xi32, #tpu.memory_space<hbm>>
      %dma_start3A_244 = arith.constant 0 : i32
      %dma_start3A_245 = arith.constant 0 : i32
      %dma_start3A_246 = tpu.memref_slice %arg3[%mul3A_4, %dma_start3A_244, %dma_start3A_245] : memref<8002x2x40xi32, #tpu.memory_space<hbm>> -> memref<1x2x40xi32, #tpu.memory_space<hbm>>
      %dma_start3A_247 = tpu.memref_squeeze %dma_start3A_246 : memref<1x2x40xi32, #tpu.memory_space<hbm>> -> memref<2x40xi32, #tpu.memory_space<hbm>>
      tpu.enqueue_dma source(%dma_start3A_247 : memref<2x40xi32, #tpu.memory_space<hbm>>) target(%arg8 : memref<2x40xi32, #tpu.memory_space<vmem>>) target_semaphore(%run_scoped3A : memref<!tpu.dma_semaphore, #tpu.memory_space<semaphore_mem>>)
      %dma_wait3A_248 = arith.constant 0 : i32
      %dma_wait3A_249 = arith.constant 0 : i32
      %dma_wait3A_250 = tpu.memref_slice %arg3[%mul3A_4, %dma_wait3A_248, %dma_wait3A_249] : memref<8002x2x40xi32, #tpu.memory_space<hbm>> -> memref<1x2x40xi32, #tpu.memory_space<hbm>>
      %dma_wait3A_251 = tpu.memref_squeeze %dma_wait3A_250 : memref<1x2x40xi32, #tpu.memory_space<hbm>> -> memref<2x40xi32, #tpu.memory_space<hbm>>
      %dma_wait3A_252 = arith.constant 0 : i32
      %dma_wait3A_253 = arith.constant 0 : i32
      %dma_wait3A_254 = tpu.memref_slice %arg3[%mul3A_4, %dma_wait3A_252, %dma_wait3A_253] : memref<8002x2x40xi32, #tpu.memory_space<hbm>> -> memref<1x2x40xi32, #tpu.memory_space<hbm>>
      %dma_wait3A_255 = tpu.memref_squeeze %dma_wait3A_254 : memref<1x2x40xi32, #tpu.memory_space<hbm>> -> memref<2x40xi32, #tpu.memory_space<hbm>>
      tpu.wait_dma2 semaphore(%run_scoped3A : memref<!tpu.dma_semaphore, #tpu.memory_space<semaphore_mem>>) src(%dma_wait3A_255 : memref<2x40xi32, #tpu.memory_space<hbm>>) dst(%arg8 : memref<2x40xi32, #tpu.memory_space<vmem>>)
      tpu.yield
    }) : () -> ()
    %add3A_208 = arith.constant 1 : i32
    %add3A_209 = arith.addi %mul3A_4, %add3A_208 : i32
    %dma_start3A_210 = arith.constant 0 : i32
    %dma_start3A_211 = arith.constant 0 : i32
    %dma_start3A_212 = tpu.memref_slice %arg3[%add3A_209, %dma_start3A_210, %dma_start3A_211] : memref<8002x2x40xi32, #tpu.memory_space<hbm>> -> memref<1x2x40xi32, #tpu.memory_space<hbm>>
    %dma_start3A_213 = tpu.memref_squeeze %dma_start3A_212 : memref<1x2x40xi32, #tpu.memory_space<hbm>> -> memref<2x40xi32, #tpu.memory_space<hbm>>
    %dma_start3A_214 = arith.constant 0 : i32
    %dma_start3A_215 = arith.constant 0 : i32
    %dma_start3A_216 = tpu.memref_slice %arg3[%add3A_209, %dma_start3A_214, %dma_start3A_215] : memref<8002x2x40xi32, #tpu.memory_space<hbm>> -> memref<1x2x40xi32, #tpu.memory_space<hbm>>
    %dma_start3A_217 = tpu.memref_squeeze %dma_start3A_216 : memref<1x2x40xi32, #tpu.memory_space<hbm>> -> memref<2x40xi32, #tpu.memory_space<hbm>>
    tpu.enqueue_dma source(%dma_start3A_217 : memref<2x40xi32, #tpu.memory_space<hbm>>) target(%arg9 : memref<2x40xi32, #tpu.memory_space<vmem>>) target_semaphore(%arg15 : memref<!tpu.dma_semaphore, #tpu.memory_space<semaphore_mem>>)
    %scan3A_218 = arith.constant 0 : i32
    %scan3A_219 = arith.constant 0 : i32
    %scan3A_220 = arith.constant 125 : i32
    %scan3A_221 = arith.addi %scan3A_219, %scan3A_220 : i32
    %scan3A_222 = arith.constant 1 : i32
    scf.for %scan3A_240 = %scan3A_219 to %scan3A_221 step %scan3A_222  : i32 {
      %mul3A_241 = arith.constant 2 : i32
      %mul3A_242 = arith.muli %mul3A_241, %scan3A_240 : i32
      %add3A_243 = arith.addi %mul3A_4, %mul3A_242 : i32
      %run_scoped3A = arith.constant 0 : i32
      "tpu.region"() ({
        %run_scoped3A_283 = tpu.sem_alloc : memref<!tpu.dma_semaphore, #tpu.memory_space<semaphore_mem>>
        %dma_start3A_284 = arith.constant 0 : i32
        %dma_start3A_285 = tpu.memref_slice %arg8[%run_scoped3A, %dma_start3A_284] : memref<2x40xi32, #tpu.memory_space<vmem>> -> memref<1x40xi32, #tpu.memory_space<vmem>>
        %dma_start3A_286 = tpu.memref_squeeze %dma_start3A_285 : memref<1x40xi32, #tpu.memory_space<vmem>> -> memref<40xi32, #tpu.memory_space<vmem>>
        %dma_start3A_287 = arith.constant 0 : i32
        %dma_start3A_288 = arith.constant 0 : i32
        %dma_start3A_289 = tpu.memref_slice %arg16[%dma_start3A_287, %dma_start3A_288] : memref<10240x128xf32, #tpu.memory_space<vmem_shared>> -> memref<10240x128xf32, #tpu.memory_space<vmem_shared>>
        tpu.enqueue_indirect_dma source(%arg11 : memref<40x128xf32, #tpu.memory_space<vmem>>) target(%dma_start3A_289 : memref<10240x128xf32, #tpu.memory_space<vmem_shared>>) offsets(%dma_start3A_286 : memref<40xi32, #tpu.memory_space<vmem>>) semaphore(%run_scoped3A_283 : memref<!tpu.dma_semaphore, #tpu.memory_space<semaphore_mem>>) {add = true}
        %dma_wait3A_290 = arith.constant 0 : i32
        %dma_wait3A_291 = tpu.memref_slice %arg8[%run_scoped3A, %dma_wait3A_290] : memref<2x40xi32, #tpu.memory_space<vmem>> -> memref<1x40xi32, #tpu.memory_space<vmem>>
        %dma_wait3A_292 = tpu.memref_squeeze %dma_wait3A_291 : memref<1x40xi32, #tpu.memory_space<vmem>> -> memref<40xi32, #tpu.memory_space<vmem>>
        %dma_wait3A_293 = arith.constant 0 : i32
        %dma_wait3A_294 = arith.constant 0 : i32
        %dma_wait3A_295 = tpu.memref_slice %arg16[%dma_wait3A_293, %dma_wait3A_294] : memref<10240x128xf32, #tpu.memory_space<vmem_shared>> -> memref<10240x128xf32, #tpu.memory_space<vmem_shared>>
        tpu.wait_indirect_dma semaphore(%run_scoped3A_283 : memref<!tpu.dma_semaphore, #tpu.memory_space<semaphore_mem>>) src(%arg11 : memref<40x128xf32, #tpu.memory_space<vmem>>) dst(%dma_wait3A_295 : memref<10240x128xf32, #tpu.memory_space<vmem_shared>>)
        tpu.yield
      }) : () -> ()
      %dma_wait3A_244 = arith.constant 0 : i32
      %dma_wait3A_245 = arith.constant 0 : i32
      %dma_wait3A_246 = arith.constant 0 : i32
      %dma_wait3A_247 = tpu.memref_slice %arg3[%dma_wait3A_244, %dma_wait3A_245, %dma_wait3A_246] : memref<8002x2x40xi32, #tpu.memory_space<hbm>> -> memref<1x2x40xi32, #tpu.memory_space<hbm>>
      %dma_wait3A_248 = tpu.memref_squeeze %dma_wait3A_247 : memref<1x2x40xi32, #tpu.memory_space<hbm>> -> memref<2x40xi32, #tpu.memory_space<hbm>>
      %dma_wait3A_249 = arith.constant 0 : i32
      %dma_wait3A_250 = arith.constant 0 : i32
      %dma_wait3A_251 = tpu.memref_slice %arg3[%dma_wait3A_244, %dma_wait3A_249, %dma_wait3A_250] : memref<8002x2x40xi32, #tpu.memory_space<hbm>> -> memref<1x2x40xi32, #tpu.memory_space<hbm>>
      %dma_wait3A_252 = tpu.memref_squeeze %dma_wait3A_251 : memref<1x2x40xi32, #tpu.memory_space<hbm>> -> memref<2x40xi32, #tpu.memory_space<hbm>>
      tpu.wait_dma2 semaphore(%arg15 : memref<!tpu.dma_semaphore, #tpu.memory_space<semaphore_mem>>) src(%dma_wait3A_252 : memref<2x40xi32, #tpu.memory_space<hbm>>) dst(%arg9 : memref<2x40xi32, #tpu.memory_space<vmem>>)
      %add3A_253 = arith.constant 2 : i32
      %add3A_254 = arith.addi %add3A_243, %add3A_253 : i32
      %dma_start3A_255 = arith.constant 0 : i32
      %dma_start3A_256 = arith.constant 0 : i32
      %dma_start3A_257 = tpu.memref_slice %arg3[%add3A_254, %dma_start3A_255, %dma_start3A_256] : memref<8002x2x40xi32, #tpu.memory_space<hbm>> -> memref<1x2x40xi32, #tpu.memory_space<hbm>>
      %dma_start3A_258 = tpu.memref_squeeze %dma_start3A_257 : memref<1x2x40xi32, #tpu.memory_space<hbm>> -> memref<2x40xi32, #tpu.memory_space<hbm>>
      %dma_start3A_259 = arith.constant 0 : i32
      %dma_start3A_260 = arith.constant 0 : i32
      %dma_start3A_261 = tpu.memref_slice %arg3[%add3A_254, %dma_start3A_259, %dma_start3A_260] : memref<8002x2x40xi32, #tpu.memory_space<hbm>> -> memref<1x2x40xi32, #tpu.memory_space<hbm>>
      %dma_start3A_262 = tpu.memref_squeeze %dma_start3A_261 : memref<1x2x40xi32, #tpu.memory_space<hbm>> -> memref<2x40xi32, #tpu.memory_space<hbm>>
      tpu.enqueue_dma source(%dma_start3A_262 : memref<2x40xi32, #tpu.memory_space<hbm>>) target(%arg8 : memref<2x40xi32, #tpu.memory_space<vmem>>) target_semaphore(%arg14 : memref<!tpu.dma_semaphore, #tpu.memory_space<semaphore_mem>>)
      %run_scoped3A_263 = arith.constant 0 : i32
      "tpu.region"() ({
        %run_scoped3A_283 = tpu.sem_alloc : memref<!tpu.dma_semaphore, #tpu.memory_space<semaphore_mem>>
        %dma_start3A_284 = arith.constant 0 : i32
        %dma_start3A_285 = tpu.memref_slice %arg9[%run_scoped3A_263, %dma_start3A_284] : memref<2x40xi32, #tpu.memory_space<vmem>> -> memref<1x40xi32, #tpu.memory_space<vmem>>
        %dma_start3A_286 = tpu.memref_squeeze %dma_start3A_285 : memref<1x40xi32, #tpu.memory_space<vmem>> -> memref<40xi32, #tpu.memory_space<vmem>>
        %dma_start3A_287 = arith.constant 0 : i32
        %dma_start3A_288 = arith.constant 0 : i32
        %dma_start3A_289 = tpu.memref_slice %arg16[%dma_start3A_287, %dma_start3A_288] : memref<10240x128xf32, #tpu.memory_space<vmem_shared>> -> memref<10240x128xf32, #tpu.memory_space<vmem_shared>>
        tpu.enqueue_indirect_dma source(%arg11 : memref<40x128xf32, #tpu.memory_space<vmem>>) target(%dma_start3A_289 : memref<10240x128xf32, #tpu.memory_space<vmem_shared>>) offsets(%dma_start3A_286 : memref<40xi32, #tpu.memory_space<vmem>>) semaphore(%run_scoped3A_283 : memref<!tpu.dma_semaphore, #tpu.memory_space<semaphore_mem>>) {add = true}
        %dma_wait3A_290 = arith.constant 0 : i32
        %dma_wait3A_291 = tpu.memref_slice %arg9[%run_scoped3A_263, %dma_wait3A_290] : memref<2x40xi32, #tpu.memory_space<vmem>> -> memref<1x40xi32, #tpu.memory_space<vmem>>
        %dma_wait3A_292 = tpu.memref_squeeze %dma_wait3A_291 : memref<1x40xi32, #tpu.memory_space<vmem>> -> memref<40xi32, #tpu.memory_space<vmem>>
        %dma_wait3A_293 = arith.constant 0 : i32
        %dma_wait3A_294 = arith.constant 0 : i32
        %dma_wait3A_295 = tpu.memref_slice %arg16[%dma_wait3A_293, %dma_wait3A_294] : memref<10240x128xf32, #tpu.memory_space<vmem_shared>> -> memref<10240x128xf32, #tpu.memory_space<vmem_shared>>
        tpu.wait_indirect_dma semaphore(%run_scoped3A_283 : memref<!tpu.dma_semaphore, #tpu.memory_space<semaphore_mem>>) src(%arg11 : memref<40x128xf32, #tpu.memory_space<vmem>>) dst(%dma_wait3A_295 : memref<10240x128xf32, #tpu.memory_space<vmem_shared>>)
        tpu.yield
      }) : () -> ()
      %dma_wait3A_264 = arith.constant 0 : i32
      %dma_wait3A_265 = arith.constant 0 : i32
      %dma_wait3A_266 = arith.constant 0 : i32
      %dma_wait3A_267 = tpu.memref_slice %arg3[%dma_wait3A_264, %dma_wait3A_265, %dma_wait3A_266] : memref<8002x2x40xi32, #tpu.memory_space<hbm>> -> memref<1x2x40xi32, #tpu.memory_space<hbm>>
      %dma_wait3A_268 = tpu.memref_squeeze %dma_wait3A_267 : memref<1x2x40xi32, #tpu.memory_space<hbm>> -> memref<2x40xi32, #tpu.memory_space<hbm>>
      %dma_wait3A_269 = arith.constant 0 : i32
      %dma_wait3A_270 = arith.constant 0 : i32
      %dma_wait3A_271 = tpu.memref_slice %arg3[%dma_wait3A_264, %dma_wait3A_269, %dma_wait3A_270] : memref<8002x2x40xi32, #tpu.memory_space<hbm>> -> memref<1x2x40xi32, #tpu.memory_space<hbm>>
      %dma_wait3A_272 = tpu.memref_squeeze %dma_wait3A_271 : memref<1x2x40xi32, #tpu.memory_space<hbm>> -> memref<2x40xi32, #tpu.memory_space<hbm>>
      tpu.wait_dma2 semaphore(%arg14 : memref<!tpu.dma_semaphore, #tpu.memory_space<semaphore_mem>>) src(%dma_wait3A_272 : memref<2x40xi32, #tpu.memory_space<hbm>>) dst(%arg8 : memref<2x40xi32, #tpu.memory_space<vmem>>)
      %add3A_273 = arith.constant 3 : i32
      %add3A_274 = arith.addi %add3A_243, %add3A_273 : i32
      %dma_start3A_275 = arith.constant 0 : i32
      %dma_start3A_276 = arith.constant 0 : i32
      %dma_start3A_277 = tpu.memref_slice %arg3[%add3A_274, %dma_start3A_275, %dma_start3A_276] : memref<8002x2x40xi32, #tpu.memory_space<hbm>> -> memref<1x2x40xi32, #tpu.memory_space<hbm>>
      %dma_start3A_278 = tpu.memref_squeeze %dma_start3A_277 : memref<1x2x40xi32, #tpu.memory_space<hbm>> -> memref<2x40xi32, #tpu.memory_space<hbm>>
      %dma_start3A_279 = arith.constant 0 : i32
      %dma_start3A_280 = arith.constant 0 : i32
      %dma_start3A_281 = tpu.memref_slice %arg3[%add3A_274, %dma_start3A_279, %dma_start3A_280] : memref<8002x2x40xi32, #tpu.memory_space<hbm>> -> memref<1x2x40xi32, #tpu.memory_space<hbm>>
      %dma_start3A_282 = tpu.memref_squeeze %dma_start3A_281 : memref<1x2x40xi32, #tpu.memory_space<hbm>> -> memref<2x40xi32, #tpu.memory_space<hbm>>
      tpu.enqueue_dma source(%dma_start3A_282 : memref<2x40xi32, #tpu.memory_space<hbm>>) target(%arg9 : memref<2x40xi32, #tpu.memory_space<vmem>>) target_semaphore(%arg15 : memref<!tpu.dma_semaphore, #tpu.memory_space<semaphore_mem>>)
    }
    %scan3A_223 = arith.constant 125 : i32
    %dma_wait3A_224 = arith.constant 0 : i32
    %dma_wait3A_225 = arith.constant 0 : i32
    %dma_wait3A_226 = arith.constant 0 : i32
    %dma_wait3A_227 = tpu.memref_slice %arg3[%dma_wait3A_224, %dma_wait3A_225, %dma_wait3A_226] : memref<8002x2x40xi32, #tpu.memory_space<hbm>> -> memref<1x2x40xi32, #tpu.memory_space<hbm>>
    %dma_wait3A_228 = tpu.memref_squeeze %dma_wait3A_227 : memref<1x2x40xi32, #tpu.memory_space<hbm>> -> memref<2x40xi32, #tpu.memory_space<hbm>>
    %dma_wait3A_229 = arith.constant 0 : i32
    %dma_wait3A_230 = arith.constant 0 : i32
    %dma_wait3A_231 = tpu.memref_slice %arg3[%dma_wait3A_224, %dma_wait3A_229, %dma_wait3A_230] : memref<8002x2x40xi32, #tpu.memory_space<hbm>> -> memref<1x2x40xi32, #tpu.memory_space<hbm>>
    %dma_wait3A_232 = tpu.memref_squeeze %dma_wait3A_231 : memref<1x2x40xi32, #tpu.memory_space<hbm>> -> memref<2x40xi32, #tpu.memory_space<hbm>>
    tpu.wait_dma2 semaphore(%arg15 : memref<!tpu.dma_semaphore, #tpu.memory_space<semaphore_mem>>) src(%dma_wait3A_232 : memref<2x40xi32, #tpu.memory_space<hbm>>) dst(%arg9 : memref<2x40xi32, #tpu.memory_space<vmem>>)
    %barrier3A_233 = arith.constant 0 : index
    tpu.barrier barrier_id(%barrier3A_233)
    %scan3A_234 = arith.constant 0 : i32
    %scan3A_235 = arith.constant 0 : i32
    %scan3A_236 = arith.constant 16 : i32
    %scan3A_237 = arith.addi %scan3A_235, %scan3A_236 : i32
    %scan3A_238 = arith.constant 1 : i32
    scf.for %scan3A_240 = %scan3A_235 to %scan3A_237 step %scan3A_238  : i32 {
      %mul3A_241 = arith.constant 40 : i32
      %mul3A_242 = arith.muli %scan3A_240, %mul3A_241 : i32
      %add3A_243 = arith.addi %mul3A_2, %mul3A_242 : i32
      "tpu.region"() ({
        %run_scoped3A = tpu.sem_alloc : memref<!tpu.dma_semaphore, #tpu.memory_space<semaphore_mem>>
        %dma_start3A_244 = arith.constant 0 : i32
        %dma_start3A_245 = tpu.memref_slice %arg16[%add3A_243, %dma_start3A_244] : memref<10240x128xf32, #tpu.memory_space<vmem_shared>> -> memref<40x128xf32, #tpu.memory_space<vmem_shared>>
        %dma_start3A_246 = arith.constant 0 : i32
        %dma_start3A_247 = tpu.memref_slice %arg16[%add3A_243, %dma_start3A_246] : memref<10240x128xf32, #tpu.memory_space<vmem_shared>> -> memref<40x128xf32, #tpu.memory_space<vmem_shared>>
        tpu.enqueue_dma source(%dma_start3A_247 : memref<40x128xf32, #tpu.memory_space<vmem_shared>>) target(%arg10 : memref<40x128xf32, #tpu.memory_space<vmem>>) target_semaphore(%run_scoped3A : memref<!tpu.dma_semaphore, #tpu.memory_space<semaphore_mem>>)
        %dma_wait3A_248 = arith.constant 0 : i32
        %dma_wait3A_249 = tpu.memref_slice %arg16[%add3A_243, %dma_wait3A_248] : memref<10240x128xf32, #tpu.memory_space<vmem_shared>> -> memref<40x128xf32, #tpu.memory_space<vmem_shared>>
        %dma_wait3A_250 = arith.constant 0 : i32
        %dma_wait3A_251 = tpu.memref_slice %arg16[%add3A_243, %dma_wait3A_250] : memref<10240x128xf32, #tpu.memory_space<vmem_shared>> -> memref<40x128xf32, #tpu.memory_space<vmem_shared>>
        tpu.wait_dma2 semaphore(%run_scoped3A : memref<!tpu.dma_semaphore, #tpu.memory_space<semaphore_mem>>) src(%dma_wait3A_251 : memref<40x128xf32, #tpu.memory_space<vmem_shared>>) dst(%arg10 : memref<40x128xf32, #tpu.memory_space<vmem>>)
        tpu.yield
      }) : () -> ()
      "tpu.region"() ({
        %run_scoped3A = tpu.sem_alloc : memref<!tpu.dma_semaphore, #tpu.memory_space<semaphore_mem>>
        %dma_start3A_244 = arith.constant 0 : i32
        %dma_start3A_245 = tpu.memref_slice %arg7[%arg0, %add3A_243, %dma_start3A_244] : memref<2x10240x128xf32, #tpu.memory_space<hbm>> -> memref<1x40x128xf32, #tpu.memory_space<hbm>>
        %dma_start3A_246 = tpu.memref_squeeze %dma_start3A_245 : memref<1x40x128xf32, #tpu.memory_space<hbm>> -> memref<40x128xf32, #tpu.memory_space<hbm>>
        %dma_start3A_247 = arith.constant 0 : i32
        %dma_start3A_248 = tpu.memref_slice %arg7[%arg0, %add3A_243, %dma_start3A_247] : memref<2x10240x128xf32, #tpu.memory_space<hbm>> -> memref<1x40x128xf32, #tpu.memory_space<hbm>>
        %dma_start3A_249 = tpu.memref_squeeze %dma_start3A_248 : memref<1x40x128xf32, #tpu.memory_space<hbm>> -> memref<40x128xf32, #tpu.memory_space<hbm>>
        tpu.enqueue_dma source(%arg10 : memref<40x128xf32, #tpu.memory_space<vmem>>) target(%dma_start3A_249 : memref<40x128xf32, #tpu.memory_space<hbm>>) target_semaphore(%run_scoped3A : memref<!tpu.dma_semaphore, #tpu.memory_space<semaphore_mem>>)
        %dma_wait3A_250 = arith.constant 0 : i32
        %dma_wait3A_251 = tpu.memref_slice %arg7[%arg0, %add3A_243, %dma_wait3A_250] : memref<2x10240x128xf32, #tpu.memory_space<hbm>> -> memref<1x40x128xf32, #tpu.memory_space<hbm>>
        %dma_wait3A_252 = tpu.memref_squeeze %dma_wait3A_251 : memref<1x40x128xf32, #tpu.memory_space<hbm>> -> memref<40x128xf32, #tpu.memory_space<hbm>>
        %dma_wait3A_253 = arith.constant 0 : i32
        %dma_wait3A_254 = tpu.memref_slice %arg7[%arg0, %add3A_243, %dma_wait3A_253] : memref<2x10240x128xf32, #tpu.memory_space<hbm>> -> memref<1x40x128xf32, #tpu.memory_space<hbm>>
        %dma_wait3A_255 = tpu.memref_squeeze %dma_wait3A_254 : memref<1x40x128xf32, #tpu.memory_space<hbm>> -> memref<40x128xf32, #tpu.memory_space<hbm>>
        tpu.wait_dma2 semaphore(%run_scoped3A : memref<!tpu.dma_semaphore, #tpu.memory_space<semaphore_mem>>) src(%arg10 : memref<40x128xf32, #tpu.memory_space<vmem>>) dst(%dma_wait3A_255 : memref<40x128xf32, #tpu.memory_space<hbm>>)
        tpu.yield
      }) : () -> ()
    }
    %scan3A_239 = arith.constant 16 : i32
    return
  }
}

module attributes {stable_mosaic.version = 14 : i64} {
  func.func @_tc_body(%arg0: i32, %arg1: memref<2x1024x128xf32, #tpu.memory_space<vmem>>, %arg2: memref<2x1024x128xf32, #tpu.memory_space<vmem>>, %arg3: memref<128x128xf32, #tpu.memory_space<vmem>>, %arg4: memref<1x128xf32, #tpu.memory_space<vmem>>, %arg5: memref<1024x128xf32, #tpu.memory_space<vmem>>) attributes {dimension_semantics = [#tpu.dimension_semantics<arbitrary>], iteration_bounds = array<i64: 10>, scalar_prefetch = 0 : i64, scratch_operands = 0 : i64, tpu.core_type = #tpu.core_type<tc>, window_params = [{transform_indices = @transform_0, window_bounds = array<i64: 2, 1024, 128>}, {transform_indices = @transform_1, window_bounds = array<i64: 2, 1024, 128>}, {pipeline_mode = #tpu.pipeline_mode<synchronous>, transform_indices = @transform_2, window_bounds = array<i64: 128, 128>}, {pipeline_mode = #tpu.pipeline_mode<synchronous>, transform_indices = @transform_3, window_bounds = array<i64: 1, 128>}, {transform_indices = @transform_4, window_bounds = array<i64: 1024, 128>}]} {
    %get3A = arith.constant 0 : index
    %get3A_0 = arith.constant 0 : index
    %get3A_1 = arith.constant 0 : index
    %get3A_2 = vector.load %arg1[%get3A, %get3A_0, %get3A_1] : memref<2x1024x128xf32, #tpu.memory_space<vmem>>, vector<1x1024x128xf32>
    %get3A_3 = vector.shape_cast %get3A_2 : vector<1x1024x128xf32> to vector<1024x128xf32>
    %get3A_4 = arith.constant 1 : index
    %get3A_5 = arith.constant 0 : index
    %get3A_6 = arith.constant 0 : index
    %get3A_7 = vector.load %arg1[%get3A_4, %get3A_5, %get3A_6] : memref<2x1024x128xf32, #tpu.memory_space<vmem>>, vector<1x1024x128xf32>
    %get3A_8 = vector.shape_cast %get3A_7 : vector<1x1024x128xf32> to vector<1024x128xf32>
    %add3A = arith.addf %get3A_3, %get3A_8 : vector<1024x128xf32>
    %get3A_9 = arith.constant 0 : index
    %get3A_10 = arith.constant 0 : index
    %get3A_11 = arith.constant 0 : index
    %get3A_12 = vector.load %arg2[%get3A_9, %get3A_10, %get3A_11] : memref<2x1024x128xf32, #tpu.memory_space<vmem>>, vector<1x1024x1xf32>
    %get3A_13 = vector.shape_cast %get3A_12 : vector<1x1024x1xf32> to vector<1024x1xf32>
    %get3A_14 = arith.constant 1 : index
    %get3A_15 = arith.constant 0 : index
    %get3A_16 = arith.constant 0 : index
    %get3A_17 = vector.load %arg2[%get3A_14, %get3A_15, %get3A_16] : memref<2x1024x128xf32, #tpu.memory_space<vmem>>, vector<1x1024x1xf32>
    %get3A_18 = vector.shape_cast %get3A_17 : vector<1x1024x1xf32> to vector<1024x1xf32>
    %add3A_19 = arith.addf %get3A_13, %get3A_18 : vector<1024x1xf32>
    %get3A_20 = arith.constant 0 : index
    %get3A_21 = arith.constant 0 : index
    %get3A_22 = arith.constant 0 : index
    %get3A_23 = vector.load %arg1[%get3A_20, %get3A_21, %get3A_22] : memref<2x1024x128xf32, #tpu.memory_space<vmem>>, vector<1x1024x1xf32>
    %get3A_24 = vector.shape_cast %get3A_23 : vector<1x1024x1xf32> to vector<1024x1xf32>
    %sub3A = arith.subf %add3A_19, %get3A_24 : vector<1024x1xf32>
    %get3A_25 = arith.constant 1 : index
    %get3A_26 = arith.constant 0 : index
    %get3A_27 = arith.constant 0 : index
    %get3A_28 = vector.load %arg1[%get3A_25, %get3A_26, %get3A_27] : memref<2x1024x128xf32, #tpu.memory_space<vmem>>, vector<1x1024x1xf32>
    %get3A_29 = vector.shape_cast %get3A_28 : vector<1x1024x1xf32> to vector<1024x1xf32>
    %sub3A_30 = arith.subf %sub3A, %get3A_29 : vector<1024x1xf32>
    %max3A = arith.constant 1.000000e+00 : f32
    %max3A_31 = vector.broadcast %max3A : f32 to vector<1024x1xf32>
    %max3A_32 = arith.maximumf %sub3A_30, %max3A_31 : vector<1024x1xf32>
    %div3A = vector.broadcast %max3A_32 : vector<1024x1xf32> to vector<1024x128xf32>
    %div3A_33 = arith.divf %add3A, %div3A : vector<1024x128xf32>
    %get3A_34 = arith.constant 0 : index
    %get3A_35 = arith.constant 0 : index
    %get3A_36 = vector.load %arg3[%get3A_34, %get3A_35] : memref<128x128xf32, #tpu.memory_space<vmem>>, vector<128x128xf32>
    %dot_general3A = arith.constant dense<0.000000e+00> : vector<1024x128xf32>
    %dot_general3A_37 = tpu.matmul %div3A_33, %get3A_36, %dot_general3A {dimension_numbers = #tpu.dot_dimension_numbers<[1], [1], [0], [0], [0, 0, 1, 0], [], []>, precision = #tpu.contract_precision<fp32>, transpose_lhs_hint = false} : vector<1024x128xf32>, vector<128x128xf32>, vector<1024x128xf32> -> vector<1024x128xf32>
    %get3A_38 = arith.constant 0 : index
    %get3A_39 = arith.constant 0 : index
    %get3A_40 = vector.load %arg4[%get3A_38, %get3A_39] : memref<1x128xf32, #tpu.memory_space<vmem>>, vector<1x128xf32>
    %add3A_41 = vector.broadcast %get3A_40 : vector<1x128xf32> to vector<1024x128xf32>
    %add3A_42 = arith.addf %dot_general3A_37, %add3A_41 : vector<1024x128xf32>
    %swap3A = arith.constant 0 : index
    %swap3A_43 = arith.constant 0 : index
    %swap3A_44 = vector.load %arg5[%swap3A, %swap3A_43] : memref<1024x128xf32, #tpu.memory_space<vmem>>, vector<1024x128xf32>
    tpu.vector_store %arg5[%swap3A, %swap3A_43], %add3A_42 {strides = array<i32>} : memref<1024x128xf32, #tpu.memory_space<vmem>>, vector<1024x128xf32>,
    return
  }
  func.func @transform_0(%arg0: i32) -> (i32, i32, i32) {
    %c0_i32 = arith.constant 0 : i32
    %c0_i32_0 = arith.constant 0 : i32
    %c0_i32_1 = arith.constant 0 : i32
    return %c0_i32, %arg0, %c0_i32_0 : i32, i32, i32
  }
  func.func @transform_1(%arg0: i32) -> (i32, i32, i32) {
    %c0_i32 = arith.constant 0 : i32
    %c0_i32_0 = arith.constant 0 : i32
    %c0_i32_1 = arith.constant 0 : i32
    return %c0_i32, %arg0, %c0_i32_0 : i32, i32, i32
  }
  func.func @transform_2(%arg0: i32) -> (i32, i32) {
    %c0_i32 = arith.constant 0 : i32
    %c0_i32_0 = arith.constant 0 : i32
    %c0_i32_1 = arith.constant 0 : i32
    return %c0_i32, %c0_i32_0 : i32, i32
  }
  func.func @transform_3(%arg0: i32) -> (i32, i32) {
    %c0_i32 = arith.constant 0 : i32
    %c0_i32_0 = arith.constant 0 : i32
    %c0_i32_1 = arith.constant 0 : i32
    return %c0_i32, %c0_i32_0 : i32, i32
  }
  func.func @transform_4(%arg0: i32) -> (i32, i32) {
    %c0_i32 = arith.constant 0 : i32
    %c0_i32_0 = arith.constant 0 : i32
    return %arg0, %c0_i32 : i32, i32
  }
}

</mosaic_0001>

<sc_bundles>
// kernel: kernel.4.cloned.1.call-start
scs
__scs_entry_jumppad:
0x0: {  	(pc) =	sbr.rel $0x88, $3  }
0x1: {  	(tag) =	ssettag $0x0;
	lr =	simm.s32 $0x1  }
0x2: {  	[smem:$0x3F9D] =	sst lr;
	_ =	strace $0xD0000000  }
0x3: {  	_ = 	snop  }
0x4: {  	_ = 	snop  }
0x5: {  	_ = 	snop  }
0x6: {  	_ = 	snop  }
0x7: {  	_ = 	snop  }
__scs_overlays_trampoline_lowered:
0x8: {  	[smem:$0x3FAC] =	sst s0  }
0x9: {  	[smem:$0x3FAD] =	sst s1  }
0xa: {  	[smem:$0x3FAE] =	sst s2  }
0xb: {  	[smem:$0x3FAF] =	sst s3  }
0xc: {  	[smem:$0x3FB0] =	sst s4  }
0xd: {  	[smem:$0x3FB1] =	sst s5  }
0xe: {  	[smem:$0x3FB2] =	sst s6  }
0xf: {  	[smem:$0x3FB3] =	sst s7  }
0x10: {  	[smem:$0x3FB4] =	sst s8  }
0x11: {  	[smem:$0x3FB5] =	sst s9;
	s0 =	simm.s32 @!p0 $0x0  }
0x12: {  	s1 =	sld [smem:$0x3F9B];
	s0 =	simm.s32 @p0 $0x1  }
0x13: {  	[smem:$0x3FB6] =	sst s0;
	s0 =	simm.s32 @!p1 $0x0  }
0x14: {  	s2 =	sld [smem:$0x3F9A];
	s0 =	simm.s32 @p1 $0x1  }
0x15: {  	[smem:$0x3FB7] =	sst s0;
	s0 =	simm.s32 @!p2 $0x0  }
0x16: {  	s3 =	sld [smem:$0x3FDB];
	s0 =	simm.s32 @p2 $0x1  }
0x17: {  	s4 =	simm.s32 $0x1BF5;
	[smem:$0x3FB9] =	sst s0  }
0x18: {  	s0 =	sld [smem:$0x3F9C];
	_ =	swait.ge [sflag:s4], $0x0  }
0x19: {  	s7 =	sld [smem:$0x3F9D]  }
0x1a: {  	s8 =	sadd.s32 $0xFFFFE003, lr  }
0x1b: {  	s9 =	sadd.s32 $0xFFFFFEF7, lr;
	s5 =	simm.s32 $0xFFFFFFFF;
	p2 =	slt.u32 s8, $0xFFFFF086  }
0x1c: {  	p1 =	slt.u32 s9, $0xF7A;
	s5 =	simm.s32 @!p2 $0x0  }
0x1d: {  	s5 =	simm.s32 @p1 $0x1;
	p0 =	seq.s32 s7, s2  }
0x1e: {  	s7 =	smul.u32 @!p0 $0xF7A, s2;
	p2 =	seq.s32 @!p0 s5, $0x0  }
0x1f: {  	s9 =	smul.u32 $0xF7A, s1;
	s8 =	simm.s32 @!p0 $0x1BF5;
	p2 =	por !p2, p0  }
0x20: {  	[sflag:s8] =	ssyncset.s32 @!p0 $0xFFFFF086;
	s6 =	sadd.s32 @!p0 s3, s7;
	s7 =	simm.s32 @!p0 $0x108  }
0x21: {  	s3 =	sadd.s32 s3, s9;
	s6 =	sadd.s32 @!p0 $0x88, s6;
	s7 =	simm.s32 @p2 $0x1082  }
0x22: {  	[simem:s7], [sflag:s8] =	dma.local @!p0 [hbm:s6], $0xF7A  }
0x23: {  	s9 =	sor.u32 $0xD0000000, s2;
	s6 =	simm.s32 $0x108;
	_ =	swait.ge @!p0 [sflag:s8], $0x0  }
0x24: {  	s3 =	sadd.s32 $0x88, s3;
	s6 =	simm.s32 @!p1 $0x1082;
	[sflag:s4] =	ssyncset.s32 $0xFFFFF086  }
0x25: {  	[simem:s6], [sflag:s4] =	dma.local [hbm:s3], $0xF7A  }
0x26: {  	[smem:$0x3F9D] =	sst s1;
	(tag) =	ssettag s2;
	_ =	strace s9  }
0x27: {  	s1 =	sld [smem:$0x3FAD]  }
0x28: {  	s2 =	sld [smem:$0x3FAE]  }
0x29: {  	s4 =	sld [smem:$0x3FB0]  }
0x2a: {  	p0 =	seq.s32 s5, $0x0;
	s5 =	sld [smem:$0x3FB1]  }
0x2b: {  	s6 =	sld [smem:$0x3FB2]  }
0x2c: {  	s7 =	sld [smem:$0x3FB3]  }
0x2d: {  	s3 =	simm.s32 $0x108;
	s8 =	sld [smem:$0x3FB4]  }
0x2e: {  	s3 =	simm.s32 @!p0 $0x1082;
	s9 =	sld [smem:$0x3FB5]  }
0x2f: {  	lr =	sadd.s32 s0, s3;
	s0 =	sld [smem:$0x3FAC]  }
0x30: {  	s3 =	sld [smem:$0x3FAF]  }
0x31: {  	[smem:$0x3FB8] =	sst s10  }
0x32: {  	s10 =	sld [smem:$0x3FB6];
	_ =	sdelay $0x3  }
0x33: {  	p0 =	seq.s32 s10, $0x1;
	s10 =	sld [smem:$0x3FB8];
	_ =	sdelay $0x3  }
0x34: {  	[smem:$0x3FB8] =	sst s10  }
0x35: {  	s10 =	sld [smem:$0x3FB7];
	_ =	sdelay $0x3  }
0x36: {  	p1 =	seq.s32 s10, $0x1;
	s10 =	sld [smem:$0x3FB8];
	_ =	sdelay $0x3  }
0x37: {  	[smem:$0x3FB8] =	sst s10  }
0x38: {  	s10 =	sld [smem:$0x3FB9]  }
0x39: {  	_ = 	snop;
	(pc) =	sbr.ind lr, $3  }
0x3a: {  	_ = 	snop  }
0x3b: {  	_ = 	snop  }
0x3c: {  	p2 =	seq.s32 s10, $0x1;
	s10 =	sld [smem:$0x3FB8]  }
0x3d: {  	_ =	shalt  }
0x3e: {  	_ =	shalt  }
0x3f: {  	_ =	shalt  }
0x40: {  	_ =	shalt  }
0x41: {  	_ =	shalt  }
0x42: {  	_ =	shalt  }
0x43: {  	_ =	shalt  }
0x44: {  	_ =	shalt  }
0x45: {  	_ =	shalt  }
0x46: {  	_ =	shalt  }
0x47: {  	_ =	shalt  }
0x48: {  	_ =	shalt  }
0x49: {  	_ =	shalt  }
0x4a: {  	_ =	shalt  }
0x4b: {  	_ =	shalt  }
0x4c: {  	_ =	shalt  }
0x4d: {  	_ =	shalt  }
0x4e: {  	_ =	shalt  }
0x4f: {  	_ =	shalt  }
0x50: {  	_ =	shalt  }
0x51: {  	_ =	shalt  }
0x52: {  	_ =	shalt  }
0x53: {  	_ =	shalt  }
0x54: {  	_ =	shalt  }
0x55: {  	_ =	shalt  }
0x56: {  	_ =	shalt  }
0x57: {  	_ =	shalt  }
0x58: {  	_ =	shalt  }
0x59: {  	_ =	shalt  }
0x5a: {  	_ =	shalt  }
0x5b: {  	_ =	shalt  }
0x5c: {  	_ =	shalt  }
0x5d: {  	_ =	shalt  }
0x5e: {  	_ =	shalt  }
0x5f: {  	_ =	shalt  }
0x60: {  	_ =	shalt  }
0x61: {  	_ =	shalt  }
0x62: {  	_ =	shalt  }
0x63: {  	_ =	shalt  }
0x64: {  	_ =	shalt  }
0x65: {  	_ =	shalt  }
0x66: {  	_ =	shalt  }
0x67: {  	_ =	shalt  }
0x68: {  	_ =	shalt  }
0x69: {  	_ =	shalt  }
0x6a: {  	_ =	shalt  }
0x6b: {  	_ =	shalt  }
0x6c: {  	_ =	shalt  }
0x6d: {  	_ =	shalt  }
0x6e: {  	_ =	shalt  }
0x6f: {  	_ =	shalt  }
0x70: {  	_ =	shalt  }
0x71: {  	_ =	shalt  }
0x72: {  	_ =	shalt  }
0x73: {  	_ =	shalt  }
0x74: {  	_ =	shalt  }
0x75: {  	_ =	shalt  }
0x76: {  	_ =	shalt  }
0x77: {  	_ =	shalt  }
0x78: {  	_ =	shalt  }
0x79: {  	_ =	shalt  }
0x7a: {  	_ =	shalt  }
0x7b: {  	_ =	shalt  }
0x7c: {  	_ =	shalt  }
0x7d: {  	_ =	shalt  }
0x7e: {  	_ =	shalt  }
0x7f: {  	_ =	shalt  }
0x80: {  	_ =	shalt  }
0x81: {  	_ =	shalt  }
0x82: {  	_ =	shalt  }
0x83: {  	_ =	shalt  }
0x84: {  	_ =	shalt  }
0x85: {  	_ =	shalt  }
0x86: {  	_ =	shalt  }
0x87: {  	_ =	shalt  }
.Lfunc_end0:
.L_simem_size_0:
called_computation_lowered:
.L_overlay_start_0:
0x88: {  	s2 =	sld [smem:$0x3FD9]  }
0x89: {  	s3 =	sld [smem:$0x3FFE];
	_ =	sdelay $0x1  }
0x8a: {  	s1 =	srdreg.scid  }
0x8b: {  	s0 =	sand.u32 $0x1, s1  }
0x8c: {  	s17 =	sshll.u32 s0, $0xA;
	s2 =	sadd.s32 s3, s2  }
0x8d: {  	s2 =	sadd.s32 s2, s17  }
0x8e: {  	[smem:$0x3FC4] =	sst s2  }
0x8f: {  	_ = 	snop  }
0x90: {  	s2 =	sld [smem:$0x3FC9]  }
0x91: {  	s18 =	sld [smem:$0x3FD0];
	(tm) =	ssettm $0x1  }
0x92: {  	s4 =	sld [smem:$0x3FFB];
	_ =	sdelay $0x3  }
0x93: {  	_ =	strace s4  }
0x94: {  	s4 =	sld [smem:$0x3FFC];
	_ =	sdelay $0x3  }
0x95: {  	_ =	strace s4  }
0x96: {  	s4 =	sld [smem:$0x3FFD];
	_ =	sdelay $0x3  }
0x97: {  	_ =	strace s4  }
0x98: {  	_ =	strace $0x8FFFFFFF  }
0x99: {  	s19 =	sld [smem:$0x3FDB];
	_ =	sdelay $0x1  }
0x9a: {  	s5 =	simm.s32 $_scs_section_size  }
0x9b: {  	s6 =	simm.s32 $_size__tile_overlayer_lowered;
	s7 =	simm.s32 $_tile_overlayer_lowered  }
0x9c: {  	s22 =	simm.s32 $0x1BFF;
	s21 =	sshll.u32 s7, $0x1;
	s4 =	sadd.s32 s5, s19  }
0x9d: {  	s8 =	simm.s32 $0x0;
	s20 =	sshll.u32 s6, $0x1;
	s6 =	sadd.s32 s21, s4  }
0x9e: {  	[timem:s8], [sflag:s22] =	dma.local [hbm:s6], s20  }
0x9f: {  	_ =	swait.ge [sflag:s22], s20  }
0xa0: {  	s5 =	ssub.s32 $0x0, s20;
	[sflag:s22] =	ssyncset.done $0x0  }
0xa1: {  	[sflag:s22] =	ssyncadd.s32 s5;
	_ =	sdelay $0x1  }
0xa2: {  	s23 =	simm.s32 $0x1B8B  }
0xa3: {  	_ =	swait.ge [sflag:s23], $0x1  }
0xa4: {  	[sflag:s23] =	ssyncset.done $0x0  }
0xa5: {  	s25 =	simm.s32 $0x1B8E;
	s24 =	sld [smem:$0x3FFE];
	[sflag:s23] =	ssyncadd.s32 $0xFFFFFFFF  }
0xa6: {  	s26 =	simm.s32 $execute0_lowered;
	[smem:$0x3FD2] =	sst s25  }
0xa7: {  	s6 =	sshll.u32 s26, $0x1;
	_ =	strace $0x80000046;
	[dreg:$0x1] =	wrdreg $0xFFFFFFFF  }
0xa8: {  	s28 =	simm.s32 $_size_execute0_lowered;
	s4 =	sadd.s32 s4, s6;
	[dreg:$0x0] =	wrdreg $0x0  }
0xa9: {  	s6 =	sshll.u32 s28, $0x1;
	[dreg:$0x2] =	wrdreg s4  }
0xaa: {  	[dreg:$0x3] =	wrdreg s6  }
0xab: {  	[dreg:$0x4] =	wrdreg $0xC0  }
0xac: {  	_ =	task [dreg:s8], $0x5FFFF  }
0xad: {  	[dreg:$0x1] =	wrdreg $0xFFFFFFFF  }
0xae: {  	[dreg:$0x0] =	wrdreg $0x60  }
0xaf: {  	[dreg:$0x2] =	wrdreg s2  }
0xb0: {  	[dreg:$0x3] =	wrdreg s24  }
0xb1: {  	[dreg:$0x4] =	wrdreg s18  }
0xb2: {  	[dreg:$0x5] =	wrdreg $0x2A000  }
0xb3: {  	[dreg:$0x6] =	wrdreg $0x9  }
0xb4: {  	_ =	task.clear_ibuf [dreg:s8], $0x7FFFF;
	_ =	strace $0x90000046  }
0xb5: {  	s29 =	simm.s32 $0x9;
	_ =	strace $0x80000048  }
0xb6: {  	_ =	swait.ge [sflag:s29], $0x1  }
0xb7: {  	[sflag:s29] =	ssyncadd.s32 $0xFFFFFFFF  }
0xb8: {  	_ =	strace $0x90000048  }
0xb9: {  	_ =	sfence  }
0xba: {  	s30 =	sld [smem:$0x0];
	_ =	sdelay $0x2  }
0xbb: {  	s31 =	sshll.u32 s1, $0xD;
	s1 =	sshrl.u32 s1, $0x2  }
0xbc: {  	s3 =	sand.u32 $0x4000, s31;
	s1 =	sadd.s32 s1, s30  }
0xbd: {  	s0 =	sor.u32 s3, s0;
	s1 =	sshll.u32 s1, $0x11  }
0xbe: {  	s0 =	sor.u32 s1, s0  }
0xbf: {  	s0 =	sadd.s32 $0x8F2B, s0  }
0xc0: {  	[sflag:s0] =	ssyncadd.remote.s32 $0x1  }
0xc1: {  	_ =	sfence.sel $0xFFFF  }
0xc2: {  	[dreg:$0x0] =	wrdreg $0xFFFFFFFF;
	(pc) =	sbr.abs _section_cstart, $3  }
0xc3: {  	[dreg:$0x1] =	wrdreg $0xFFFFFFFF  }
0xc4: {  	_ =	task.clear_ibuf [dreg:s8], $0x2FFFF;
	_ =	strace $0x9FFFFFFF  }
0xc5: {  	(tm) =	ssettm $0x7FFFFFFF  }
tec
execute0_lowered:
.L_overlay_start_1:
0x0: {  	(tag) =	ssettag $0x1  }
0x1: {  	s0 =	rddreg [dreg:$0x0]  }
0x2: {  	s1 =	rddreg [dreg:$0x1];
	s2 =	srdreg.scid  }
0x3: {  	s4 =	rddreg [dreg:$0x3];
	s10 =	stileid.u32  }
0x4: {  	s5 =	simm.s32 $0x0;
	s30 =	simm.s32 $0x200;
	s6 =	smul.u32 $0x14000, s10  }
0x5: {  	s31 =	simm.s32 $0x5;
	s2 =	sand.u32 $0x1, s2;
	s11 =	smul.u32 $0x50000, s10  }
0x6: {  	[smem:$0x7FF] =	sst s5;
	s7 =	sadd.s32 $0x1000, s1;
	s25 =	smul.u32 $0x3E80, s10  }
0x7: {  	s8 =	sadd.s32 $0x3FA00, s1;
	s9 =	sshll.u32 s10, $0x1;
	s3 =	smul.u32 $0x140000, s2  }
0x8: {  	s10 =	simm.s32 $0x1600;
	_ =	strace $0x80000047;
	[dreg:$0x5] =	wrdreg s8  }
0x9: {  	s12 =	ssub.s32 $0x2, s2;
	s3 =	sadd.s32 s6, s3;
	s6 =	sshrl.u32 s11, $0x2  }
0xa: {  	s14 =	sor.u32 s2, s9;
	s2 =	smul.u32 $0x1F40, s2;
	s15 =	sadd.s32 s6, s4  }
0xb: {  	s8 =	simm.s32 $0x4;
	s9 =	simm.s32 $0x180;
	s16 =	sadd.s32 $0x1400, s15  }
0xc: {  	s13 =	sshrl.u32 s12, $0x1;
	s17 =	sadd.s32 $0x2800, s15;
	[dreg:$0x6] =	wrdreg s16  }
0xd: {  	s26 =	sadd.s32 s25, s7;
	s18 =	sadd.s32 $0x3C00, s15;
	[dreg:$0x7] =	wrdreg s17  }
0xe: {  	s11 =	simm.s32 $0x3;
	s19 =	sadd.s32 $0x5000, s15;
	[dreg:$0x8] =	wrdreg s18  }
0xf: {  	s3 =	sshrl.u32 s3, $0x3;
	s20 =	sadd.s32 $0x6400, s15;
	[dreg:$0x9] =	wrdreg s19  }
0x10: {  	s6 =	smul.u32 $0x1F40, s14;
	s21 =	sadd.s32 $0x7800, s15;
	[dreg:$0xa] =	wrdreg s20  }
0x11: {  	s1 =	sadd.s32 s3, s1;
	s22 =	sadd.s32 $0x8C00, s15;
	[dreg:$0xb] =	wrdreg s21  }
0x12: {  	s3 =	ssub.s32 s12, s13;
	s23 =	sadd.s32 $0xA000, s15;
	[dreg:$0xc] =	wrdreg s22  }
0x13: {  	s24 =	sadd.s32 $0xB400, s15;
	s28 =	sadd.s32 $0x12C00, s15;
	[dreg:$0xd] =	wrdreg s23  }
0x14: {  	s12 =	simm.s32 $0x2;
	s13 =	simm.s32 $0x0;
	[dreg:$0xe] =	wrdreg s24  }
0x15: {  	s17 =	sadd.s32 $0xC800, s15;
	s18 =	sadd.s32 $0xDC00, s15;
	s19 =	sadd.s32 $0xF000, s15  }
0x16: {  	s20 =	sadd.s32 s7, s6;
	s21 =	sadd.s32 $0x10400, s15;
	s22 =	smax.u32 s3, $0x1  }
0x17: {  	s23 =	sadd.s32 s2, s26;
	s24 =	sadd.s32 $0x3FE00, s1;
	s25 =	sadd.s32 $0x8FE00, s1  }
0x18: {  	s26 =	sadd.s32 $0x11800, s15;
	s1 =	simm.s32 $0x1;
	s2 =	simm.s32 $0x28  }
0x19: {  	s3 =	simm.s32 $0x80;
	s6 =	simm.s32 $0x100;
	s29 =	sadd.s32 $0x20, s20  }
.LBB2_1:
0x1a: {  	s7 =	rddreg [dreg:$0x2]  }
0x1b: {  	[tilespmem:s30], [sflag:$0x5] =	stream.linear.gather [hbm4b:s7+s5], $0x1400, $0x38;
	[tilespmem:$0x16A00] =	vst v63  }
0x1c: {  	_ =	swait.ge [sflag:s31], $0x1400  }
0x1d: {  	[sflag:s31] =	ssyncset.done $0x0  }
0x1e: {  	[sflag:s31] =	ssyncadd.s32 $0xFFFFEC00  }
0x1f: {  	[spmem:s15] =	stream.linear.scatter [tilespmem:s30], [sflag:$0x1], $0x1400, $0x38;
	[tilespmem:$0x16A00] =	vst v63  }
0x20: {  	s14 =	rddreg [dreg:$0x6]  }
0x21: {  	[spmem:s14] =	stream.linear.scatter [tilespmem:s30], [sflag:$0x1], $0x1400, $0x38;
	[tilespmem:$0x16A00] =	vst v63  }
0x22: {  	s16 =	rddreg [dreg:$0x7]  }
0x23: {  	[spmem:s16] =	stream.linear.scatter [tilespmem:s30], [sflag:$0x1], $0x1400, $0x38;
	[tilespmem:$0x16A00] =	vst v63  }
0x24: {  	s14 =	rddreg [dreg:$0x8]  }
0x25: {  	[spmem:s14] =	stream.linear.scatter [tilespmem:s30], [sflag:$0x1], $0x1400, $0x38;
	[tilespmem:$0x16A00] =	vst v63  }
0x26: {  	s16 =	rddreg [dreg:$0x9]  }
0x27: {  	[spmem:s16] =	stream.linear.scatter [tilespmem:s30], [sflag:$0x1], $0x1400, $0x38;
	[tilespmem:$0x16A00] =	vst v63  }
0x28: {  	s14 =	rddreg [dreg:$0xa]  }
0x29: {  	[spmem:s14] =	stream.linear.scatter [tilespmem:s30], [sflag:$0x1], $0x1400, $0x38;
	[tilespmem:$0x16A00] =	vst v63  }
0x2a: {  	s16 =	rddreg [dreg:$0xb]  }
0x2b: {  	[spmem:s16] =	stream.linear.scatter [tilespmem:s30], [sflag:$0x1], $0x1400, $0x38;
	[tilespmem:$0x16A00] =	vst v63  }
0x2c: {  	s14 =	rddreg [dreg:$0xc]  }
0x2d: {  	[spmem:s14] =	stream.linear.scatter [tilespmem:s30], [sflag:$0x1], $0x1400, $0x38;
	[tilespmem:$0x16A00] =	vst v63  }
0x2e: {  	s16 =	rddreg [dreg:$0xd]  }
0x2f: {  	[spmem:s16] =	stream.linear.scatter [tilespmem:s30], [sflag:$0x1], $0x1400, $0x38;
	[tilespmem:$0x16A00] =	vst v63  }
0x30: {  	s14 =	rddreg [dreg:$0xe]  }
0x31: {  	[spmem:s14] =	stream.linear.scatter [tilespmem:s30], [sflag:$0x1], $0x1400, $0x38;
	[tilespmem:$0x16A00] =	vst v63  }
0x32: {  	_ = 	snop  }
0x33: {  	[spmem:s17] =	stream.linear.scatter [tilespmem:s30], [sflag:$0x1], $0x1400, $0x38;
	[tilespmem:$0x16A00] =	vst v63  }
0x34: {  	_ = 	snop  }
0x35: {  	[spmem:s18] =	stream.linear.scatter [tilespmem:s30], [sflag:$0x1], $0x1400, $0x38;
	[tilespmem:$0x16A00] =	vst v63  }
0x36: {  	_ = 	snop  }
0x37: {  	[spmem:s19] =	stream.linear.scatter [tilespmem:s30], [sflag:$0x1], $0x1400, $0x38;
	[tilespmem:$0x16A00] =	vst v63  }
0x38: {  	_ = 	snop  }
0x39: {  	[spmem:s21] =	stream.linear.scatter [tilespmem:s30], [sflag:$0x1], $0x1400, $0x38;
	[tilespmem:$0x16A00] =	vst v63  }
0x3a: {  	_ = 	snop  }
0x3b: {  	[spmem:s26] =	stream.linear.scatter [tilespmem:s30], [sflag:$0x1], $0x1400, $0x38;
	[tilespmem:$0x16A00] =	vst v63  }
0x3c: {  	_ = 	snop  }
0x3d: {  	[spmem:s28] =	stream.linear.scatter [tilespmem:s30], [sflag:$0x1], $0x1400, $0x38;
	[tilespmem:$0x16A00] =	vst v63  }
0x3e: {  	_ =	swait.ge [sflag:s1], $0x1400  }
0x3f: {  	[sflag:s1] =	ssyncset.done $0x0  }
0x40: {  	[sflag:s1] =	ssyncadd.s32 $0xFFFFEC00  }
0x41: {  	_ =	swait.ge [sflag:s1], $0x1400  }
0x42: {  	[sflag:s1] =	ssyncset.done $0x0  }
0x43: {  	[sflag:s1] =	ssyncadd.s32 $0xFFFFEC00  }
0x44: {  	_ =	swait.ge [sflag:s1], $0x1400  }
0x45: {  	[sflag:s1] =	ssyncset.done $0x0  }
0x46: {  	[sflag:s1] =	ssyncadd.s32 $0xFFFFEC00  }
0x47: {  	_ =	swait.ge [sflag:s1], $0x1400  }
0x48: {  	[sflag:s1] =	ssyncset.done $0x0  }
0x49: {  	[sflag:s1] =	ssyncadd.s32 $0xFFFFEC00  }
0x4a: {  	_ =	swait.ge [sflag:s1], $0x1400  }
0x4b: {  	[sflag:s1] =	ssyncset.done $0x0  }
0x4c: {  	[sflag:s1] =	ssyncadd.s32 $0xFFFFEC00  }
0x4d: {  	_ =	swait.ge [sflag:s1], $0x1400  }
0x4e: {  	[sflag:s1] =	ssyncset.done $0x0  }
0x4f: {  	[sflag:s1] =	ssyncadd.s32 $0xFFFFEC00  }
0x50: {  	_ =	swait.ge [sflag:s1], $0x1400  }
0x51: {  	[sflag:s1] =	ssyncset.done $0x0  }
0x52: {  	[sflag:s1] =	ssyncadd.s32 $0xFFFFEC00  }
0x53: {  	_ =	swait.ge [sflag:s1], $0x1400  }
0x54: {  	[sflag:s1] =	ssyncset.done $0x0  }
0x55: {  	[sflag:s1] =	ssyncadd.s32 $0xFFFFEC00  }
0x56: {  	_ =	swait.ge [sflag:s1], $0x1400  }
0x57: {  	[sflag:s1] =	ssyncset.done $0x0  }
0x58: {  	[sflag:s1] =	ssyncadd.s32 $0xFFFFEC00  }
0x59: {  	_ =	swait.ge [sflag:s1], $0x1400  }
0x5a: {  	[sflag:s1] =	ssyncset.done $0x0  }
0x5b: {  	[sflag:s1] =	ssyncadd.s32 $0xFFFFEC00  }
0x5c: {  	_ =	swait.ge [sflag:s1], $0x1400  }
0x5d: {  	[sflag:s1] =	ssyncset.done $0x0  }
0x5e: {  	[sflag:s1] =	ssyncadd.s32 $0xFFFFEC00  }
0x5f: {  	_ =	swait.ge [sflag:s1], $0x1400  }
0x60: {  	[sflag:s1] =	ssyncset.done $0x0  }
0x61: {  	[sflag:s1] =	ssyncadd.s32 $0xFFFFEC00  }
0x62: {  	_ =	swait.ge [sflag:s1], $0x1400  }
0x63: {  	[sflag:s1] =	ssyncset.done $0x0  }
0x64: {  	[sflag:s1] =	ssyncadd.s32 $0xFFFFEC00  }
0x65: {  	_ =	swait.ge [sflag:s1], $0x1400  }
0x66: {  	[sflag:s1] =	ssyncset.done $0x0  }
0x67: {  	[sflag:s1] =	ssyncadd.s32 $0xFFFFEC00  }
0x68: {  	_ =	swait.ge [sflag:s1], $0x1400  }
0x69: {  	[sflag:s1] =	ssyncset.done $0x0  }
0x6a: {  	[sflag:s1] =	ssyncadd.s32 $0xFFFFEC00  }
0x6b: {  	_ =	swait.ge [sflag:s1], $0x1400  }
0x6c: {  	[sflag:s1] =	ssyncset.done $0x0  }
0x6d: {  	[sflag:s1] =	ssyncadd.s32 $0xFFFFEC00  }
0x6e: {  	[bflag:$0x0] =	sbarrier.arrive $0xFFFF  }
0x6f: {  	[tilespmem:s5], [sflag:$0x5] =	stream.linear.gather [hbm4b:s20+s5], $0x100, $0x38;
	[tilespmem:$0x16A00] =	vst v63  }
0x70: {  	_ =	swait.ge [sflag:s31], $0x100  }
0x71: {  	[sflag:s31] =	ssyncset.done $0x0  }
0x72: {  	[sflag:s31] =	ssyncadd.s32 $0xFFFFFF00  }
0x73: {  	[tilespmem:s30], [sflag:$0x1] =	stream.indirect.gather [hbm4b:s0+s2], $0x80, s3, s2, $0xb8;
	[tilespmem:$0x16A00] =	vst v63  }
0x74: {  	_ = 	snop  }
0x75: {  	[tilespmem:s6], [sflag:$0x4] =	stream.linear.gather [hbm4b:s29+s5], $0x100, $0x38;
	[tilespmem:$0x16A00] =	vst v63  }
0x76: {  	_ =	swait.ge [sflag:s8], $0x100  }
0x77: {  	[sflag:s8] =	ssyncset.done $0x0  }
0x78: {  	[sflag:s8] =	ssyncadd.s32 $0xFFFFFF00  }
0x79: {  	[tilespmem:s10], [sflag:$0x2] =	stream.indirect.gather [hbm4b:s0+s2], $0x80, s9, s2, $0xb8;
	[tilespmem:$0x16A00] =	vst v63  }
0x7a: {  	_ =	swait.ge [sflag:s1], $0x1400  }
0x7b: {  	[sflag:s1] =	ssyncset.done $0x0  }
0x7c: {  	[sflag:s1] =	ssyncadd.s32 $0xFFFFEC00  }
0x7d: {  	[spmem:s4] =	stream.indirect.scatter.add.f32 [tilespmem:s30], [sflag:$0x5], $0x80, s5, s2, $0xb8;
	[tilespmem:$0x16A00] =	vst v63  }
0x7e: {  	_ =	swait.ge [sflag:s31], $0x1400  }
0x7f: {  	s16 =	sadd.s32 $0xFFFFE0C0, s23;
	[sflag:s31] =	ssyncset.done $0x0  }
0x80: {  	s14 =	sadd.s32 $0x1F80, s16;
	[sflag:s31] =	ssyncadd.s32 $0xFFFFEC00  }
0x81: {  	[tilespmem:s5], [sflag:$0x3] =	stream.linear.gather [hbm4b:s14+s5], $0x100, $0x38;
	[tilespmem:$0x16A00] =	vst v63  }
0x82: {  	_ =	swait.ge [sflag:s11], $0x100  }
0x83: {  	[sflag:s11] =	ssyncset.done $0x0  }
0x84: {  	[sflag:s11] =	ssyncadd.s32 $0xFFFFFF00  }
0x85: {  	[tilespmem:s30], [sflag:$0x1] =	stream.indirect.gather [hbm4b:s0+s2], $0x80, s3, s2, $0xb8;
	[tilespmem:$0x16A00] =	vst v63  }
0x86: {  	_ =	swait.ge [sflag:s12], $0x1400  }
0x87: {  	[sflag:s12] =	ssyncset.done $0x0  }
0x88: {  	[sflag:s12] =	ssyncadd.s32 $0xFFFFEC00  }
0x89: {  	[spmem:s4] =	stream.indirect.scatter.add.f32 [tilespmem:s10], [sflag:$0x5], $0x80, s6, s2, $0xb8;
	[tilespmem:$0x16A00] =	vst v63  }
0x8a: {  	_ =	swait.ge [sflag:s31], $0x1400  }
0x8b: {  	[sflag:s31] =	ssyncset.done $0x0  }
0x8c: {  	s7 =	sadd.s32 $0x1FA0, s16;
	s14 =	simm.s32 $0xFFFFE100;
	[sflag:s31] =	ssyncadd.s32 $0xFFFFEC00  }
.LBB2_2:
0x8d: {  	[tilespmem:s6], [sflag:$0x4] =	stream.linear.gather [hbm4b:s7+s5], $0x100, $0x38;
	[tilespmem:$0x16A00] =	vst v63  }
0x8e: {  	s7 =	smov.u32 s14  }
0x8f: {  	p0 =	sne.s32 s14, $0xFFFFFFC0;
	s14 =	sadd.s32 $0x40, s14;
	_ =	swait.ge [sflag:s8], $0x100  }
0x90: {  	[sflag:s8] =	ssyncset.done $0x0  }
0x91: {  	[sflag:s8] =	ssyncadd.s32 $0xFFFFFF00  }
0x92: {  	[tilespmem:s10], [sflag:$0x2] =	stream.indirect.gather [hbm4b:s0+s2], $0x80, s9, s2, $0xb8;
	[tilespmem:$0x16A00] =	vst v63  }
0x93: {  	_ =	swait.ge [sflag:s1], $0x1400  }
0x94: {  	[sflag:s1] =	ssyncset.done $0x0  }
0x95: {  	[sflag:s1] =	ssyncadd.s32 $0xFFFFEC00  }
0x96: {  	[spmem:s4] =	stream.indirect.scatter.add.f32 [tilespmem:s30], [sflag:$0x5], $0x80, s5, s2, $0xb8;
	[tilespmem:$0x16A00] =	vst v63  }
0x97: {  	_ =	swait.ge [sflag:s31], $0x1400  }
0x98: {  	s7 =	sadd.s32 s7, s23;
	[sflag:s31] =	ssyncset.done $0x0  }
0x99: {  	s16 =	sadd.s32 $0x1F80, s7;
	[sflag:s31] =	ssyncadd.s32 $0xFFFFEC00  }
0x9a: {  	[tilespmem:s5], [sflag:$0x3] =	stream.linear.gather [hbm4b:s16+s5], $0x100, $0x38;
	[tilespmem:$0x16A00] =	vst v63  }
0x9b: {  	_ =	swait.ge [sflag:s11], $0x100  }
0x9c: {  	[sflag:s11] =	ssyncset.done $0x0  }
0x9d: {  	[sflag:s11] =	ssyncadd.s32 $0xFFFFFF00  }
0x9e: {  	[tilespmem:s30], [sflag:$0x1] =	stream.indirect.gather [hbm4b:s0+s2], $0x80, s3, s2, $0xb8;
	[tilespmem:$0x16A00] =	vst v63  }
0x9f: {  	_ =	swait.ge [sflag:s12], $0x1400  }
0xa0: {  	[sflag:s12] =	ssyncset.done $0x0  }
.Ltmp0:
0xa1: {  	[sflag:s12] =	ssyncadd.s32 $0xFFFFEC00;
	(pc) =	sbr.rel @p0 .LBB2_2-.Ltmp0, $4  }
0xa2: {  	[spmem:s4] =	stream.indirect.scatter.add.f32 [tilespmem:s10], [sflag:$0x5], $0x80, s6, s2, $0xb8;
	[tilespmem:$0x16A00] =	vst v63  }
0xa3: {  	_ =	swait.ge [sflag:s31], $0x1400  }
0xa4: {  	[sflag:s31] =	ssyncset.done $0x0  }
0xa5: {  	s7 =	sadd.s32 $0x1FA0, s7;
	[sflag:s31] =	ssyncadd.s32 $0xFFFFEC00  }
0xa6: {  	[tilespmem:s6], [sflag:$0x4] =	stream.linear.gather [hbm4b:s7+s5], $0x100, $0x38;
	[tilespmem:$0x16A00] =	vst v63  }
0xa7: {  	_ =	swait.ge [sflag:s8], $0x100  }
0xa8: {  	[sflag:s8] =	ssyncset.done $0x0  }
0xa9: {  	[sflag:s8] =	ssyncadd.s32 $0xFFFFFF00  }
0xaa: {  	_ =	swait.ge [sflag:s1], $0x1400  }
0xab: {  	[sflag:s1] =	ssyncset.done $0x0  }
0xac: {  	[sflag:s1] =	ssyncadd.s32 $0xFFFFEC00  }
0xad: {  	[bflag:$0x0] =	sbarrier.arrive $0xFFFF  }
0xae: {  	[tilespmem:s30], [sflag:$0x5] =	stream.linear.gather [spmem:s15], $0x1400, $0x38;
	[tilespmem:$0x16A00] =	vst v63  }
0xaf: {  	_ =	swait.ge [sflag:s31], $0x1400  }
0xb0: {  	[sflag:s31] =	ssyncset.done $0x0  }
0xb1: {  	s16 =	sadd.s32 $0x0, s24;
	[sflag:s31] =	ssyncadd.s32 $0xFFFFEC00  }
0xb2: {  	[hbm4b:s16+s5] =	stream.linear.scatter [tilespmem:s30], [sflag:$0x5], $0x1400, $0x38;
	[tilespmem:$0x16A00] =	vst v63  }
0xb3: {  	_ =	swait.ge [sflag:s31], $0x1400  }
0xb4: {  	s14 =	simm.s32 $0x280;
	s7 =	smov.u32 s15;
	[sflag:s31] =	ssyncset.done $0x0  }
.LBB2_4:
0xb5: {  	p0 =	sne.s32 s14, $0x2580;
	[sflag:s31] =	ssyncadd.s32 $0xFFFFEC00;
	s7 =	sadd.s32 $0x1400, s7  }
0xb6: {  	[tilespmem:s30], [sflag:$0x5] =	stream.linear.gather [spmem:s7], $0x1400, $0x38;
	[tilespmem:$0x16A00] =	vst v63  }
0xb7: {  	s16 =	smov.u32 s14;
	s14 =	sadd.s32 $0x280, s14;
	_ =	swait.ge [sflag:s31], $0x1400  }
.Ltmp1:
0xb8: {  	[sflag:s31] =	ssyncset.done $0x0;
	(pc) =	sbr.rel @p0 .LBB2_4-.Ltmp1, $4  }
0xb9: {  	s16 =	sadd.s32 s16, s24;
	[sflag:s31] =	ssyncadd.s32 $0xFFFFEC00  }
0xba: {  	[hbm4b:s16+s5] =	stream.linear.scatter [tilespmem:s30], [sflag:$0x5], $0x1400, $0x38;
	[tilespmem:$0x16A00] =	vst v63  }
0xbb: {  	_ =	swait.ge [sflag:s31], $0x1400  }
0xbc: {  	[sflag:s31] =	ssyncset.done $0x0  }
0xbd: {  	[sflag:s31] =	ssyncadd.s32 $0xFFFFEC00;
	s7 =	rddreg [dreg:$0x5]  }
0xbe: {  	[tilespmem:s10], [sflag:$0x5] =	stream.linear.gather [hbm4b:s7+s5], $0x1400, $0x38;
	[tilespmem:$0x16A00] =	vst v63  }
0xbf: {  	_ =	swait.ge [sflag:s31], $0x1400  }
0xc0: {  	[sflag:s31] =	ssyncset.done $0x0  }
0xc1: {  	[sflag:s31] =	ssyncadd.s32 $0xFFFFEC00  }
0xc2: {  	[bflag:$0x0] =	sbarrier.arrive $0xFFFF  }
0xc3: {  	[tilespmem:s5], [sflag:$0x5] =	stream.linear.gather [hbm4b:s20+s5], $0x100, $0x38;
	[tilespmem:$0x16A00] =	vst v63  }
0xc4: {  	_ =	swait.ge [sflag:s31], $0x100  }
0xc5: {  	[sflag:s31] =	ssyncset.done $0x0  }
0xc6: {  	[sflag:s31] =	ssyncadd.s32 $0xFFFFFF00  }
0xc7: {  	[tilespmem:s6], [sflag:$0x4] =	stream.linear.gather [hbm4b:s29+s5], $0x100, $0x38;
	[tilespmem:$0x16A00] =	vst v63  }
0xc8: {  	_ = 	snop  }
0xc9: {  	[spmem:s4] =	stream.indirect.scatter.add.f32 [tilespmem:s10], [sflag:$0x5], $0x80, s5, s2, $0xb8;
	[tilespmem:$0x16A00] =	vst v63  }
0xca: {  	_ =	swait.ge [sflag:s31], $0x1400  }
0xcb: {  	[sflag:s31] =	ssyncset.done $0x0  }
0xcc: {  	[sflag:s31] =	ssyncadd.s32 $0xFFFFEC00  }
0xcd: {  	_ =	swait.ge [sflag:s8], $0x100  }
0xce: {  	s16 =	sadd.s32 $0xFFFFE0C0, s23;
	[sflag:s8] =	ssyncset.done $0x0  }
0xcf: {  	s14 =	sadd.s32 $0x1F80, s16;
	[sflag:s8] =	ssyncadd.s32 $0xFFFFFF00  }
0xd0: {  	[tilespmem:s5], [sflag:$0x3] =	stream.linear.gather [hbm4b:s14+s5], $0x100, $0x38;
	[tilespmem:$0x16A00] =	vst v63  }
0xd1: {  	_ = 	snop  }
0xd2: {  	[spmem:s4] =	stream.indirect.scatter.add.f32 [tilespmem:s10], [sflag:$0x5], $0x80, s6, s2, $0xb8;
	[tilespmem:$0x16A00] =	vst v63  }
0xd3: {  	_ =	swait.ge [sflag:s31], $0x1400  }
0xd4: {  	[sflag:s31] =	ssyncset.done $0x0  }
0xd5: {  	[sflag:s31] =	ssyncadd.s32 $0xFFFFEC00  }
0xd6: {  	_ =	swait.ge [sflag:s11], $0x100  }
0xd7: {  	[sflag:s11] =	ssyncset.done $0x0  }
0xd8: {  	s7 =	sadd.s32 $0x1FA0, s16;
	s14 =	simm.s32 $0xFFFFE100;
	[sflag:s11] =	ssyncadd.s32 $0xFFFFFF00  }
.LBB2_6:
0xd9: {  	[tilespmem:s6], [sflag:$0x4] =	stream.linear.gather [hbm4b:s7+s5], $0x100, $0x38;
	[tilespmem:$0x16A00] =	vst v63  }
0xda: {  	p0 =	sne.s32 s14, $0xFFFFFFC0;
	s7 =	smov.u32 s14;
	s14 =	sadd.s32 $0x40, s14  }
0xdb: {  	[spmem:s4] =	stream.indirect.scatter.add.f32 [tilespmem:s10], [sflag:$0x5], $0x80, s5, s2, $0xb8;
	[tilespmem:$0x16A00] =	vst v63  }
0xdc: {  	_ =	swait.ge [sflag:s31], $0x1400  }
0xdd: {  	[sflag:s31] =	ssyncset.done $0x0  }
0xde: {  	[sflag:s31] =	ssyncadd.s32 $0xFFFFEC00  }
0xdf: {  	_ =	swait.ge [sflag:s8], $0x100  }
0xe0: {  	s7 =	sadd.s32 s7, s23;
	[sflag:s8] =	ssyncset.done $0x0  }
0xe1: {  	s16 =	sadd.s32 $0x1F80, s7;
	[sflag:s8] =	ssyncadd.s32 $0xFFFFFF00  }
0xe2: {  	[tilespmem:s5], [sflag:$0x3] =	stream.linear.gather [hbm4b:s16+s5], $0x100, $0x38;
	[tilespmem:$0x16A00] =	vst v63  }
0xe3: {  	_ = 	snop  }
0xe4: {  	[spmem:s4] =	stream.indirect.scatter.add.f32 [tilespmem:s10], [sflag:$0x5], $0x80, s6, s2, $0xb8;
	[tilespmem:$0x16A00] =	vst v63  }
0xe5: {  	_ =	swait.ge [sflag:s31], $0x1400  }
.Ltmp2:
0xe6: {  	[sflag:s31] =	ssyncset.done $0x0;
	(pc) =	sbr.rel @p0 .LBB2_6-.Ltmp2, $4  }
0xe7: {  	[sflag:s31] =	ssyncadd.s32 $0xFFFFEC00  }
0xe8: {  	_ =	swait.ge [sflag:s11], $0x100  }
0xe9: {  	[sflag:s11] =	ssyncset.done $0x0  }
0xea: {  	s7 =	sadd.s32 $0x1FA0, s7;
	[sflag:s11] =	ssyncadd.s32 $0xFFFFFF00  }
0xeb: {  	[tilespmem:s6], [sflag:$0x4] =	stream.linear.gather [hbm4b:s7+s5], $0x100, $0x38;
	[tilespmem:$0x16A00] =	vst v63  }
0xec: {  	_ =	swait.ge [sflag:s8], $0x100  }
0xed: {  	[sflag:s8] =	ssyncset.done $0x0  }
0xee: {  	[sflag:s8] =	ssyncadd.s32 $0xFFFFFF00  }
0xef: {  	[bflag:$0x0] =	sbarrier.arrive $0xFFFF  }
0xf0: {  	[tilespmem:s30], [sflag:$0x5] =	stream.linear.gather [spmem:s15], $0x1400, $0x38;
	[tilespmem:$0x16A00] =	vst v63  }
0xf1: {  	_ =	swait.ge [sflag:s31], $0x1400  }
0xf2: {  	[sflag:s31] =	ssyncset.done $0x0  }
0xf3: {  	s16 =	sadd.s32 $0x0, s25;
	[sflag:s31] =	ssyncadd.s32 $0xFFFFEC00  }
0xf4: {  	[hbm4b:s16+s5] =	stream.linear.scatter [tilespmem:s30], [sflag:$0x5], $0x1400, $0x38;
	[tilespmem:$0x16A00] =	vst v63  }
0xf5: {  	_ =	swait.ge [sflag:s31], $0x1400  }
0xf6: {  	s14 =	simm.s32 $0x280;
	s7 =	smov.u32 s15;
	[sflag:s31] =	ssyncset.done $0x0  }
.LBB2_8:
0xf7: {  	p0 =	sne.s32 s14, $0x2580;
	[sflag:s31] =	ssyncadd.s32 $0xFFFFEC00;
	s7 =	sadd.s32 $0x1400, s7  }
0xf8: {  	[tilespmem:s30], [sflag:$0x5] =	stream.linear.gather [spmem:s7], $0x1400, $0x38;
	[tilespmem:$0x16A00] =	vst v63  }
0xf9: {  	s16 =	smov.u32 s14;
	s14 =	sadd.s32 $0x280, s14;
	_ =	swait.ge [sflag:s31], $0x1400  }
.Ltmp3:
0xfa: {  	[sflag:s31] =	ssyncset.done $0x0;
	(pc) =	sbr.rel @p0 .LBB2_8-.Ltmp3, $4  }
0xfb: {  	s16 =	sadd.s32 s16, s25;
	[sflag:s31] =	ssyncadd.s32 $0xFFFFEC00  }
0xfc: {  	[hbm4b:s16+s5] =	stream.linear.scatter [tilespmem:s30], [sflag:$0x5], $0x1400, $0x38;
	[tilespmem:$0x16A00] =	vst v63  }
0xfd: {  	_ =	swait.ge [sflag:s31], $0x1400  }
0xfe: {  	[sflag:s31] =	ssyncset.done $0x0  }
0xff: {  	s13 =	sadd.s32 $0x1, s13  }
0x100: {  	p0 =	sne.s32 s13, s22  }
.Ltmp4:
0x101: {  	_ = 	snop;
	(pc) =	sbr.rel @p0 .LBB2_1-.Ltmp4, $2  }
0x102: {  	_ =	sdelay $0x2  }
0x103: {  	[sflag:s31] =	ssyncadd.s32 $0xFFFFEC00  }
0x104: {  	_ =	sfence.sel $0x180000  }
0x105: {  	[bflag:$0x0] =	sbarrier.arrive $0xFFFF  }
0x106: {  	_ =	strace $0x90000047  }
0x107: {  	s0 =	stileid.u32;
	[bflag:$0x2] =	sbarrier.arrive $0xFFFF  }
0x108: {  	p0 =	sne.s32 s0, $0x0;
	s0 =	rddreg [dreg:$0x4]  }
0x109: {  	s0 =	sadd.s32 @!p0 $0x100000, s0  }
0x10a: {  	[sflag:s0] =	ssyncadd.tile.s32 @!p0 $0x1;
	_ =	shalt  }
.Lfunc_end2:
_tile_overlayer_lowered:
.L_overlay_start_2:
0x10b: {  	(tag) =	ssettag $0x2  }
0x10c: {  	s0 =	rddreg [dreg:$0x0];
	s2 =	stileid.u32  }
0x10d: {  	s1 =	rddreg [dreg:$0x1];
	p0 =	sne.s32 s2, $0x0  }
0x10e: {  	s3 =	rddreg [dreg:$0x2];
	[bflag:$0x3] =	sbarrier.arrive $0xFFFF;
	s2 =	simm.s32 @!p0 $0x1C05  }
0x10f: {  	[timem:s3], [sflag:s2] =	dma.local @!p0 [hbm:s0], s1  }
0x110: {  	s0 =	simm.s32 @!p0 $0x5  }
0x111: {  	_ =	swait.ge @!p0 [sflag:s0], s1  }
0x112: {  	s1 =	ssub.s32 @!p0 $0x0, s1;
	[sflag:s0] =	ssyncset.done @!p0 $0x0  }
0x113: {  	[sflag:s0] =	ssyncadd.s32 @!p0 s1  }
0x114: {  	[bflag:$0x3] =	sbarrier.arrive $0xFFFF  }
0x115: {  	_ =	shalt  }

</sc_bundles>
